<compile_context>
chip_gen: v7x
topology: tpu7x:2x2x1
jax: 0.10.2.dev20260603
libtpu: 0.0.44.dev20260713+nightly
codegen_flags: <defaults>
</compile_context>

<pallas_src>
import functools

import jax
import jax.numpy as jnp
from jax import lax
from jax.experimental import pallas as pl
from jax.experimental.pallas import tpu as pltpu
from jax.experimental.pallas import tpu_sc as plsc

D = 128
EPS = 1e-5
ALPHA = 0.5



_HI_MASK = -65536


def _bf16_bits(x):
    xi = lax.bitcast_convert_type(x, jnp.int32)
    return (xi + 0x7FFF + ((xi >> 16) & 1)) & _HI_MASK


def _pack2(a, b):
    return _bf16_bits(a) | ((_bf16_bits(b) >> 16) & 0xFFFF)


def _unpack_hi(w):
    return lax.bitcast_convert_type(w & _HI_MASK, jnp.float32)


def _unpack_lo(w):
    return lax.bitcast_convert_type(w << 16, jnp.float32)


def _k0_body(h_ref, wq_ref, q_ref):
    q = jnp.dot(h_ref[...], wq_ref[...], preferred_element_type=jnp.float32)
    q_ref[...] = _pack2(q[:, :D], q[:, D:])


def _k0(h, wq):
    n = h.shape[0]
    return pl.pallas_call(
        _k0_body,
        out_shape=jax.ShapeDtypeStruct((n, D), jnp.int32),
    )(h, wq)




def _sc_gather(q, src, dst):
    e = src.shape[0]
    info = plsc.get_sparse_core_info()
    nc, ns = info.num_cores, info.num_subcores
    nw = nc * ns
    epw = e // nw
    chunk = 200
    nch = epw // chunk
    mesh = plsc.VectorSubcoreMesh(core_axis_name="c", subcore_axis_name="s")

    @functools.partial(
        pl.kernel,
        mesh=mesh,
        out_type=[jax.ShapeDtypeStruct((e, D), jnp.int32),
                  jax.ShapeDtypeStruct((e, D), jnp.int32)],
        scratch_types=[
            pltpu.VMEM((chunk,), jnp.int32),
            pltpu.VMEM((chunk,), jnp.int32),
            pltpu.VMEM((chunk,), jnp.int32),
            pltpu.VMEM((chunk,), jnp.int32),
            pltpu.VMEM((chunk, D), jnp.int32),
            pltpu.VMEM((chunk, D), jnp.int32),
            pltpu.VMEM((chunk, D), jnp.int32),
            pltpu.VMEM((chunk, D), jnp.int32),
            pltpu.SemaphoreType.DMA,
            pltpu.SemaphoreType.DMA,
            pltpu.SemaphoreType.DMA,
            pltpu.SemaphoreType.DMA,
        ],
    )
    def k(q_hbm, src_hbm, dst_hbm, g1_hbm, g2_hbm,
          i1a, i2a, i1b, i2b, r1a, r2a, r1b, r2b,
          s1a, s2a, s1b, s2b):
        wid = lax.axis_index("s") * nc + lax.axis_index("c")
        base = wid * epw

        def load_gather(c, i1, i2, r1, r2, s1, s2):
            o = base + c * chunk
            pltpu.sync_copy(src_hbm.at[pl.ds(o, chunk)], i1)
            pltpu.sync_copy(dst_hbm.at[pl.ds(o, chunk)], i2)
            pltpu.async_copy(q_hbm.at[i1], r1, s1)
            pltpu.async_copy(q_hbm.at[i2], r2, s2)

        def wait_g(r1, r2, s1, s2):
            pltpu.make_async_copy(g1_hbm.at[pl.ds(0, chunk)], r1, s1).wait()
            pltpu.make_async_copy(g1_hbm.at[pl.ds(0, chunk)], r2, s2).wait()

        def write(c, r1, r2):
            o = base + c * chunk
            pltpu.sync_copy(r1, g1_hbm.at[pl.ds(o, chunk)])
            pltpu.sync_copy(r2, g2_hbm.at[pl.ds(o, chunk)])

        load_gather(0, i1a, i2a, r1a, r2a, s1a, s2a)

        def body(j, carry):
            ca = 2 * j
            cb = ca + 1
            wait_g(r1a, r2a, s1a, s2a)
            load_gather(cb, i1b, i2b, r1b, r2b, s1b, s2b)
            write(ca, r1a, r2a)
            wait_g(r1b, r2b, s1b, s2b)

            @pl.when(cb + 1 < nch)
            def _():
                load_gather(cb + 1, i1a, i2a, r1a, r2a, s1a, s2a)

            write(cb, r1b, r2b)
            return carry

        lax.fori_loop(0, nch // 2, body, 0)

    return k(q, src, dst)




def _k2_body(g1_ref, g2_ref, ear_ref, wc_ref, bm1_ref,
             y1p_ref, sst_ref, sts_ref, *, be):
    i = pl.program_id(0)
    ew = jnp.dot(ear_ref[...], wc_ref[...],
                 preferred_element_type=jnp.float32) + bm1_ref[...]
    g1 = g1_ref[...]
    g2 = g2_ref[...]
    yst = _unpack_hi(g1) + _unpack_lo(g2) + ew
    yts = _unpack_hi(g2) + _unpack_lo(g1) + ew
    y1p_ref[...] = _pack2(yst, yts)
    upd_st = jnp.concatenate(
        [jnp.sum(yst, 0, keepdims=True), jnp.sum(yst * yst, 0, keepdims=True)], 0)
    upd_ts = jnp.concatenate(
        [jnp.sum(yts, 0, keepdims=True), jnp.sum(yts * yts, 0, keepdims=True)], 0)

    @pl.when(i == 0)
    def _():
        sst_ref[...] = jnp.zeros_like(sst_ref)
        sts_ref[...] = jnp.zeros_like(sts_ref)

    sst_ref[...] += upd_st
    sts_ref[...] += upd_ts


def _k2(g1, g2, ear, wc, bm1, be):
    e = g1.shape[0]
    nb = e // be
    return pl.pallas_call(
        functools.partial(_k2_body, be=be),
        grid=(nb,),
        in_specs=[
            pl.BlockSpec((be, D), lambda i: (i, 0)),
            pl.BlockSpec((be, D), lambda i: (i, 0)),
            pl.BlockSpec((be, 4), lambda i: (i, 0)),
            pl.BlockSpec((4, D), lambda i: (0, 0)),
            pl.BlockSpec((1, D), lambda i: (0, 0)),
        ],
        out_specs=[
            pl.BlockSpec((be, D), lambda i: (i, 0)),
            pl.BlockSpec((2, D), lambda i: (0, 0)),
            pl.BlockSpec((2, D), lambda i: (0, 0)),
        ],
        out_shape=[
            jax.ShapeDtypeStruct((e, D), jnp.int32),
            jax.ShapeDtypeStruct((2, D), jnp.float32),
            jax.ShapeDtypeStruct((2, D), jnp.float32),
        ],
    )(g1, g2, ear, wc, bm1)




def _scale_shift(stats, g, b, count):
    m = stats[0:1, :] / count
    v = stats[1:2, :] / count - m * m
    scale = g * lax.rsqrt(v + EPS)
    shift = b - m * scale
    return scale, shift


def _k3_body(y1p_ref, s1st_ref, s1ts_ref, gm1_ref, bem1_ref,
             wm2_ref, bm2_ref, y2p_ref, sst_ref, sts_ref, *, count):
    i = pl.program_id(0)
    g = gm1_ref[...]
    b = bem1_ref[...]
    sc_st, sh_st = _scale_shift(s1st_ref[...], g, b, count)
    sc_ts, sh_ts = _scale_shift(s1ts_ref[...], g, b, count)
    y1p = y1p_ref[...]
    z_st = jnp.maximum(_unpack_hi(y1p) * sc_st + sh_st, 0.0)
    z_ts = jnp.maximum(_unpack_lo(y1p) * sc_ts + sh_ts, 0.0)
    w = wm2_ref[...].astype(jnp.bfloat16)
    y2st = jnp.dot(z_st.astype(jnp.bfloat16), w,
                   preferred_element_type=jnp.float32) + bm2_ref[...]
    y2ts = jnp.dot(z_ts.astype(jnp.bfloat16), w,
                   preferred_element_type=jnp.float32) + bm2_ref[...]
    y2p_ref[...] = _pack2(y2st, y2ts)
    upd_st = jnp.concatenate(
        [jnp.sum(y2st, 0, keepdims=True), jnp.sum(y2st * y2st, 0, keepdims=True)], 0)
    upd_ts = jnp.concatenate(
        [jnp.sum(y2ts, 0, keepdims=True), jnp.sum(y2ts * y2ts, 0, keepdims=True)], 0)

    @pl.when(i == 0)
    def _():
        sst_ref[...] = jnp.zeros_like(sst_ref)
        sts_ref[...] = jnp.zeros_like(sts_ref)

    sst_ref[...] += upd_st
    sts_ref[...] += upd_ts


def _k3(y1p, s1st, s1ts, gm1, bem1, wm2, bm2, be):
    e = y1p.shape[0]
    nb = e // be
    blk = lambda i: (i, 0)
    fix = lambda i: (0, 0)
    return pl.pallas_call(
        functools.partial(_k3_body, count=float(e)),
        grid=(nb,),
        in_specs=[
            pl.BlockSpec((be, D), blk),
            pl.BlockSpec((2, D), fix),
            pl.BlockSpec((2, D), fix),
            pl.BlockSpec((1, D), fix),
            pl.BlockSpec((1, D), fix),
            pl.BlockSpec((D, D), fix),
            pl.BlockSpec((1, D), fix),
        ],
        out_specs=[
            pl.BlockSpec((be, D), blk),
            pl.BlockSpec((2, D), fix),
            pl.BlockSpec((2, D), fix),
        ],
        out_shape=[
            jax.ShapeDtypeStruct((e, D), jnp.int32),
            jax.ShapeDtypeStruct((2, D), jnp.float32),
            jax.ShapeDtypeStruct((2, D), jnp.float32),
        ],
    )(y1p, s1st, s1ts, gm1, bem1, wm2, bm2)




def _k3b_body(y2p_ref, s2st_ref, s2ts_ref, gm2_ref, bem2_ref,
              mst_ref, mts_ref, *, count):
    g = gm2_ref[...]
    b = bem2_ref[...]
    sc_st, sh_st = _scale_shift(s2st_ref[...], g, b, count)
    sc_ts, sh_ts = _scale_shift(s2ts_ref[...], g, b, count)
    y2p = y2p_ref[...]
    mst_ref[...] = jnp.maximum(_unpack_hi(y2p) * sc_st + sh_st, 0.0)
    mts_ref[...] = jnp.maximum(_unpack_lo(y2p) * sc_ts + sh_ts, 0.0)


def _k3b(y2p, s2st, s2ts, gm2, bem2, be):
    e = y2p.shape[0]
    nb = e // be
    blk = lambda i: (i, 0)
    fix = lambda i: (0, 0)
    return pl.pallas_call(
        functools.partial(_k3b_body, count=float(e)),
        grid=(nb,),
        in_specs=[
            pl.BlockSpec((be, D), blk),
            pl.BlockSpec((2, D), fix),
            pl.BlockSpec((2, D), fix),
            pl.BlockSpec((1, D), fix),
            pl.BlockSpec((1, D), fix),
        ],
        out_specs=[
            pl.BlockSpec((be, D), blk),
            pl.BlockSpec((be, D), blk),
        ],
        out_shape=[
            jax.ShapeDtypeStruct((e, D), jnp.float32),
            jax.ShapeDtypeStruct((e, D), jnp.float32),
        ],
    )(y2p, s2st, s2ts, gm2, bem2)




def _sc_scatter(mst, mts, src, zeros_n):
    e = src.shape[0]
    n = zeros_n.shape[0]
    info = plsc.get_sparse_core_info()
    nc, ns = info.num_cores, info.num_subcores
    ept = e // ns
    chunk = 160
    nch = ept // chunk
    npt = (n // ns) // 8 * 8
    tail = n - ns * npt
    mesh = plsc.VectorSubcoreMesh(core_axis_name="c", subcore_axis_name="s")

    @functools.partial(
        pl.kernel,
        mesh=mesh,
        out_type=[jax.ShapeDtypeStruct((n, D), jnp.float32),
                  jax.ShapeDtypeStruct((n, D), jnp.float32)],
        scratch_types=[
            pltpu.VMEM((chunk,), jnp.int32),
            pltpu.VMEM((chunk,), jnp.int32),
            pltpu.VMEM((chunk, D), jnp.float32),
            pltpu.VMEM((chunk, D), jnp.float32),
            pltpu.VMEM_SHARED((n, D), jnp.float32),
            pltpu.SemaphoreType.DMA,
            pltpu.SemaphoreType.DMA,
        ],
    )
    def k(mst_hbm, mts_hbm, src_hbm, zeros_hbm, ast_hbm, ats_hbm,
          ia, ib, va, vb, aggr_sh, sa, sb):
        c = lax.axis_index("c")
        s = lax.axis_index("s")
        rs = s * npt
        pltpu.sync_copy(zeros_hbm.at[pl.ds(rs, npt)],
                        aggr_sh.at[pl.ds(rs, npt)])

        @pl.when(s == 0)
        def _():
            pltpu.sync_copy(zeros_hbm.at[pl.ds(ns * npt, tail)],
                            aggr_sh.at[pl.ds(ns * npt, tail)])

        plsc.subcore_barrier()

        base = s * ept

        def load(ci, iv, vv, sem):
            o = base + ci * chunk
            pltpu.sync_copy(src_hbm.at[pl.ds(o, chunk)], iv)

            @pl.when(c == 0)
            def _():
                pltpu.async_copy(mst_hbm.at[pl.ds(o, chunk)], vv, sem)

            @pl.when(c != 0)
            def _():
                pltpu.async_copy(mts_hbm.at[pl.ds(o, chunk)], vv, sem)

        def wait_v(vv, sem):
            pltpu.make_async_copy(mst_hbm.at[pl.ds(0, chunk)], vv, sem).wait()

        load(0, ia, va, sa)

        def body(j, carry):
            ca = 2 * j
            cb = ca + 1
            wait_v(va, sa)
            load(cb, ib, vb, sb)
            pltpu.sync_copy(va, aggr_sh.at[ia], add=True)
            wait_v(vb, sb)

            @pl.when(cb + 1 < nch)
            def _():
                load(cb + 1, ia, va, sa)

            pltpu.sync_copy(vb, aggr_sh.at[ib], add=True)
            return carry

        lax.fori_loop(0, nch // 2, body, 0)

        if nch % 2 == 1:
            wait_v(va, sa)
            pltpu.sync_copy(va, aggr_sh.at[ia], add=True)

        plsc.subcore_barrier()

        @pl.when(c == 0)
        def _():
            pltpu.sync_copy(aggr_sh.at[pl.ds(rs, npt)],
                            ast_hbm.at[pl.ds(rs, npt)])

            @pl.when(s == 0)
            def _():
                pltpu.sync_copy(aggr_sh.at[pl.ds(ns * npt, tail)],
                                ast_hbm.at[pl.ds(ns * npt, tail)])

        @pl.when(c != 0)
        def _():
            pltpu.sync_copy(aggr_sh.at[pl.ds(rs, npt)],
                            ats_hbm.at[pl.ds(rs, npt)])

            @pl.when(s == 0)
            def _():
                pltpu.sync_copy(aggr_sh.at[pl.ds(ns * npt, tail)],
                                ats_hbm.at[pl.ds(ns * npt, tail)])

    return k(mst, mts, src, zeros_n)




def _k5_body(h_ref, ast_ref, ats_ref, wu1_ref, bu1_ref, gu1_ref, beu1_ref,
             wu2_ref, bu2_ref, gu2_ref, beu2_ref, out_ref):
    h = h_ref[...]
    wu1 = wu1_ref[...]
    u = (jnp.dot(h, wu1[:D], preferred_element_type=jnp.float32)
         + jnp.dot(ast_ref[...], ALPHA * wu1[D:2 * D],
                   preferred_element_type=jnp.float32)
         + jnp.dot(ats_ref[...], (1.0 - ALPHA) * wu1[2 * D:],
                   preferred_element_type=jnp.float32)
         + bu1_ref[...])
    m = jnp.mean(u, axis=0, keepdims=True)
    v = jnp.mean((u - m) * (u - m), axis=0, keepdims=True)
    z = jnp.maximum(gu1_ref[...] * (u - m) * lax.rsqrt(v + EPS)
                    + beu1_ref[...], 0.0)
    u2 = jnp.dot(z, wu2_ref[...], preferred_element_type=jnp.float32) \
        + bu2_ref[...]
    m2 = jnp.mean(u2, axis=0, keepdims=True)
    v2 = jnp.mean((u2 - m2) * (u2 - m2), axis=0, keepdims=True)
    out_ref[...] = jnp.maximum(
        gu2_ref[...] * (u2 - m2) * lax.rsqrt(v2 + EPS) + beu2_ref[...], 0.0)


def _k5(h, ast, ats, wu1, bu1, gu1, beu1, wu2, bu2, gu2, beu2):
    n = h.shape[0]
    return pl.pallas_call(
        _k5_body,
        out_shape=jax.ShapeDtypeStruct((n, D), jnp.float32),
    )(h, ast, ats, wu1, bu1, gu1, beu1, wu2, bu2, gu2, beu2)



_BE = 2560


def kernel(h, edge_index, edge_attr, Wm1, bm1, gm1, bem1, Wm2, bm2, gm2, bem2,
           Wu1, bu1, gu1, beu1, Wu2, bu2, gu2, beu2):
    n = h.shape[0]
    e = edge_index.shape[1]
    src = edge_index[0]
    dst = edge_index[1]
    wq = jnp.concatenate([Wm1[:D], Wm1[D:2 * D]], axis=1)
    wc = Wm1[2 * D:]
    ear = edge_attr
    row = lambda x: x.reshape(1, D)

    q = _k0(h, wq)
    g1, g2 = _sc_gather(q, src, dst)
    y1p, s1st, s1ts = _k2(g1, g2, ear, wc, row(bm1), _BE)
    y2p, s2st, s2ts = _k3(y1p, s1st, s1ts, row(gm1), row(bem1),
                          Wm2, row(bm2), _BE)
    mst, mts = _k3b(y2p, s2st, s2ts, row(gm2), row(bem2), _BE)
    zeros_n = jnp.zeros((n, D), jnp.float32)
    ast, ats = _sc_scatter(mst, mts, src, zeros_n)
    out = _k5(h, ast, ats, Wu1, row(bu1), row(gu1), row(beu1),
              Wu2, row(bu2), row(gu2), row(beu2))
    return out

# --- scband reference (transcript-rebuilt; emitter-appended) ---
"""Pipeline reference for scband-dir-mpnnlayer-23003844837405 (READ-ONLY COPY).

The authoritative reference and input builder live on the scoring server;
editing this copy changes nothing except your own understanding.
"""

import jax, jax.numpy as jnp
import numpy as np

N = 10000
E = 320000
D = 128
DE = 4
EPS = 1e-5
ALPHA = 0.5


def setup_inputs(seed: int = 0) -> dict:
    key = jax.random.key(seed)
    ks = jax.random.split(key, 24)
    def nrm(i, shp, s=0.05):
        return s * jax.random.normal(ks[i], shp, dtype=jnp.float32)
    inp = {}
    inp['h'] = jax.random.normal(ks[0], (N, D), dtype=jnp.float32)
    inp['edge_index'] = jax.random.randint(ks[1], (2, E), 0, N, dtype=jnp.int32)
    inp['edge_attr'] = jax.random.normal(ks[2], (E, DE), dtype=jnp.float32)
    # mlp_msg params: Linear(2D+DE -> D), BN(D), Linear(D -> D), BN(D)
    inp['Wm1'] = nrm(3, (2 * D + DE, D)); inp['bm1'] = jnp.zeros((D,), jnp.float32)
    inp['gm1'] = jnp.ones((D,), jnp.float32); inp['bem1'] = jnp.zeros((D,), jnp.float32)
    inp['Wm2'] = nrm(4, (D, D)); inp['bm2'] = jnp.zeros((D,), jnp.float32)
    inp['gm2'] = jnp.ones((D,), jnp.float32); inp['bem2'] = jnp.zeros((D,), jnp.float32)
    # mlp_upd params: Linear(3D -> D), BN(D), Linear(D -> D), BN(D)
    inp['Wu1'] = nrm(5, (3 * D, D)); inp['bu1'] = jnp.zeros((D,), jnp.float32)
    inp['gu1'] = jnp.ones((D,), jnp.float32); inp['beu1'] = jnp.zeros((D,), jnp.float32)
    inp['Wu2'] = nrm(6, (D, D)); inp['bu2'] = jnp.zeros((D,), jnp.float32)
    inp['gu2'] = jnp.ones((D,), jnp.float32); inp['beu2'] = jnp.zeros((D,), jnp.float32)
    return inp


def _bn(x, g, b):
    m = jnp.mean(x, axis=0)
    v = jnp.var(x, axis=0)
    return g * (x - m) / jnp.sqrt(v + EPS) + b


def _mlp(x, W1, b1, g1, be1, W2, b2, g2, be2):
    x = jax.nn.relu(_bn(x @ W1 + b1, g1, be1))
    x = jax.nn.relu(_bn(x @ W2 + b2, g2, be2))
    return x


def reference(h, edge_index, edge_attr, Wm1, bm1, gm1, bem1, Wm2, bm2, gm2, bem2, Wu1, bu1, gu1, beu1, Wu2, bu2, gu2, beu2):
    src = edge_index[0, :]
    dst = edge_index[1, :]
    h_i = h[src]
    h_j = h[dst]
    msg_st = _mlp(jnp.concatenate([h_i, h_j, edge_attr], axis=-1), Wm1, bm1, gm1, bem1, Wm2, bm2, gm2, bem2)
    msg_ts = _mlp(jnp.concatenate([h_j, h_i, edge_attr], axis=-1), Wm1, bm1, gm1, bem1, Wm2, bm2, gm2, bem2)
    # NOTE: original code scatters BOTH aggregations by source_nodes (faithful translation)
    aggr_st = jax.ops.segment_sum(msg_st, src, num_segments=N)
    aggr_ts = jax.ops.segment_sum(msg_ts, src, num_segments=N)
    upd_in = jnp.concatenate([h, ALPHA * aggr_st, (1.0 - ALPHA) * aggr_ts], axis=-1)
    out = _mlp(upd_in, Wu1, bu1, gu1, beu1, Wu2, bu2, gu2, beu2)
    return out

if __name__ == "__main__":
    import jax
    _d = setup_inputs()
    print(jax.jit(kernel)(*tuple(_d.values())))

</pallas_src>

<mosaic_0001>
#map = affine_map<(d0, d1) -> (0, 0)>
#map1 = affine_map<(d0, d1) -> (0)>
module attributes {stable_mosaic.version = 14 : i64} {
  func.func @k(%arg0: i32, %arg1: i32, %arg2: memref<320000x128xf32, #tpu.memory_space<hbm>>, %arg3: memref<320000x128xf32, #tpu.memory_space<hbm>>, %arg4: memref<320000xi32, #tpu.memory_space<hbm>>, %arg5: memref<10000x128xf32, #tpu.memory_space<hbm>>, %arg6: memref<10000x128xf32, #tpu.memory_space<hbm>>, %arg7: memref<10000x128xf32, #tpu.memory_space<hbm>>, %arg8: memref<160xi32, #tpu.memory_space<vmem>>, %arg9: memref<160xi32, #tpu.memory_space<vmem>>, %arg10: memref<160x128xf32, #tpu.memory_space<vmem>>, %arg11: memref<160x128xf32, #tpu.memory_space<vmem>>, %arg12: memref<10000x128xf32, #tpu.memory_space<vmem_shared>>, %arg13: memref<!tpu.dma_semaphore, #tpu.memory_space<semaphore_mem>>, %arg14: memref<!tpu.dma_semaphore, #tpu.memory_space<semaphore_mem>>) attributes {dimension_semantics = [#tpu.dimension_semantics<core_parallel>, #tpu.dimension_semantics<subcore_parallel>], iteration_bounds = array<i64: 2, 16>, scalar_prefetch = 0 : i64, scratch_operands = 7 : i64, tpu.core_type = #tpu.core_type<sc_vector_subcore>, window_params = [{transform_indices = #map}, {transform_indices = #map}, {transform_indices = #map1}, {transform_indices = #map}, {transform_indices = #map}, {transform_indices = #map}]} {
    %mul3A = arith.constant 624 : i32
    %mul3A_0 = arith.muli %arg1, %mul3A : i32
    "tpu.region"() ({
      %run_scoped3A = tpu.sem_alloc : memref<!tpu.dma_semaphore, #tpu.memory_space<semaphore_mem>>
      %dma_start3A = arith.constant 0 : i32
      %dma_start3A_36 = tpu.memref_slice %arg12[%mul3A_0, %dma_start3A] : memref<10000x128xf32, #tpu.memory_space<vmem_shared>> -> memref<624x128xf32, #tpu.memory_space<vmem_shared>>
      %dma_start3A_37 = arith.constant 0 : i32
      %dma_start3A_38 = tpu.memref_slice %arg5[%mul3A_0, %dma_start3A_37] : memref<10000x128xf32, #tpu.memory_space<hbm>> -> memref<624x128xf32, #tpu.memory_space<hbm>>
      tpu.enqueue_dma source(%dma_start3A_38 : memref<624x128xf32, #tpu.memory_space<hbm>>) target(%dma_start3A_36 : memref<624x128xf32, #tpu.memory_space<vmem_shared>>) target_semaphore(%run_scoped3A : memref<!tpu.dma_semaphore, #tpu.memory_space<semaphore_mem>>)
      %dma_wait3A_39 = arith.constant 0 : i32
      %dma_wait3A_40 = tpu.memref_slice %arg12[%mul3A_0, %dma_wait3A_39] : memref<10000x128xf32, #tpu.memory_space<vmem_shared>> -> memref<624x128xf32, #tpu.memory_space<vmem_shared>>
      %dma_wait3A_41 = arith.constant 0 : i32
      %dma_wait3A_42 = tpu.memref_slice %arg5[%mul3A_0, %dma_wait3A_41] : memref<10000x128xf32, #tpu.memory_space<hbm>> -> memref<624x128xf32, #tpu.memory_space<hbm>>
      tpu.wait_dma2 semaphore(%run_scoped3A : memref<!tpu.dma_semaphore, #tpu.memory_space<semaphore_mem>>) src(%dma_wait3A_42 : memref<624x128xf32, #tpu.memory_space<hbm>>) dst(%dma_wait3A_40 : memref<624x128xf32, #tpu.memory_space<vmem_shared>>)
      tpu.yield
    }) : () -> ()
    %eq3A = arith.constant 0 : i32
    %eq3A_1 = arith.cmpi eq, %arg1, %eq3A : i32
    %convert_element_type3A = arith.extui %eq3A_1 : i1 to i32
    %cond3A = arith.constant 0 : i32
    %cond3A_2 = arith.cmpi ne, %convert_element_type3A, %cond3A : i32
    scf.if %cond3A_2 {
      "tpu.region"() ({
        %run_scoped3A = tpu.sem_alloc : memref<!tpu.dma_semaphore, #tpu.memory_space<semaphore_mem>>
        %dma_start3A = arith.constant 9984 : i32
        %dma_start3A_36 = arith.constant 0 : i32
        %dma_start3A_37 = tpu.memref_slice %arg12[%dma_start3A, %dma_start3A_36] : memref<10000x128xf32, #tpu.memory_space<vmem_shared>> -> memref<16x128xf32, #tpu.memory_space<vmem_shared>>
        %dma_start3A_38 = arith.constant 9984 : i32
        %dma_start3A_39 = arith.constant 0 : i32
        %dma_start3A_40 = tpu.memref_slice %arg5[%dma_start3A_38, %dma_start3A_39] : memref<10000x128xf32, #tpu.memory_space<hbm>> -> memref<16x128xf32, #tpu.memory_space<hbm>>
        tpu.enqueue_dma source(%dma_start3A_40 : memref<16x128xf32, #tpu.memory_space<hbm>>) target(%dma_start3A_37 : memref<16x128xf32, #tpu.memory_space<vmem_shared>>) target_semaphore(%run_scoped3A : memref<!tpu.dma_semaphore, #tpu.memory_space<semaphore_mem>>)
        %dma_wait3A_41 = arith.constant 9984 : i32
        %dma_wait3A_42 = arith.constant 0 : i32
        %dma_wait3A_43 = tpu.memref_slice %arg12[%dma_wait3A_41, %dma_wait3A_42] : memref<10000x128xf32, #tpu.memory_space<vmem_shared>> -> memref<16x128xf32, #tpu.memory_space<vmem_shared>>
        %dma_wait3A_44 = arith.constant 9984 : i32
        %dma_wait3A_45 = arith.constant 0 : i32
        %dma_wait3A_46 = tpu.memref_slice %arg5[%dma_wait3A_44, %dma_wait3A_45] : memref<10000x128xf32, #tpu.memory_space<hbm>> -> memref<16x128xf32, #tpu.memory_space<hbm>>
        tpu.wait_dma2 semaphore(%run_scoped3A : memref<!tpu.dma_semaphore, #tpu.memory_space<semaphore_mem>>) src(%dma_wait3A_46 : memref<16x128xf32, #tpu.memory_space<hbm>>) dst(%dma_wait3A_43 : memref<16x128xf32, #tpu.memory_space<vmem_shared>>)
        tpu.yield
      }) : () -> ()
    } else {
    }
    %barrier3A = arith.constant 0 : index
    tpu.barrier barrier_id(%barrier3A)
    %mul3A_3 = arith.constant 20000 : i32
    %mul3A_4 = arith.muli %arg1, %mul3A_3 : i32
    %add3A = arith.constant 0 : i32
    %add3A_5 = arith.addi %mul3A_4, %add3A : i32
    "tpu.region"() ({
      %run_scoped3A = tpu.sem_alloc : memref<!tpu.dma_semaphore, #tpu.memory_space<semaphore_mem>>
      %dma_start3A = tpu.memref_slice %arg4[%add3A_5] : memref<320000xi32, #tpu.memory_space<hbm>> -> memref<160xi32, #tpu.memory_space<hbm>>
      %dma_start3A_36 = tpu.memref_slice %arg4[%add3A_5] : memref<320000xi32, #tpu.memory_space<hbm>> -> memref<160xi32, #tpu.memory_space<hbm>>
      tpu.enqueue_dma source(%dma_start3A_36 : memref<160xi32, #tpu.memory_space<hbm>>) target(%arg8 : memref<160xi32, #tpu.memory_space<vmem>>) target_semaphore(%run_scoped3A : memref<!tpu.dma_semaphore, #tpu.memory_space<semaphore_mem>>)
      %dma_wait3A_37 = tpu.memref_slice %arg4[%add3A_5] : memref<320000xi32, #tpu.memory_space<hbm>> -> memref<160xi32, #tpu.memory_space<hbm>>
      %dma_wait3A_38 = tpu.memref_slice %arg4[%add3A_5] : memref<320000xi32, #tpu.memory_space<hbm>> -> memref<160xi32, #tpu.memory_space<hbm>>
      tpu.wait_dma2 semaphore(%run_scoped3A : memref<!tpu.dma_semaphore, #tpu.memory_space<semaphore_mem>>) src(%dma_wait3A_38 : memref<160xi32, #tpu.memory_space<hbm>>) dst(%arg8 : memref<160xi32, #tpu.memory_space<vmem>>)
      tpu.yield
    }) : () -> ()
    %eq3A_6 = arith.constant 0 : i32
    %eq3A_7 = arith.cmpi eq, %arg0, %eq3A_6 : i32
    %convert_element_type3A_8 = arith.extui %eq3A_7 : i1 to i32
    %cond3A_9 = arith.constant 0 : i32
    %cond3A_10 = arith.cmpi ne, %convert_element_type3A_8, %cond3A_9 : i32
    scf.if %cond3A_10 {
      %dma_start3A = arith.constant 0 : i32
      %dma_start3A_36 = tpu.memref_slice %arg2[%add3A_5, %dma_start3A] : memref<320000x128xf32, #tpu.memory_space<hbm>> -> memref<160x128xf32, #tpu.memory_space<hbm>>
      %dma_start3A_37 = arith.constant 0 : i32
      %dma_start3A_38 = tpu.memref_slice %arg2[%add3A_5, %dma_start3A_37] : memref<320000x128xf32, #tpu.memory_space<hbm>> -> memref<160x128xf32, #tpu.memory_space<hbm>>
      tpu.enqueue_dma source(%dma_start3A_38 : memref<160x128xf32, #tpu.memory_space<hbm>>) target(%arg10 : memref<160x128xf32, #tpu.memory_space<vmem>>) target_semaphore(%arg13 : memref<!tpu.dma_semaphore, #tpu.memory_space<semaphore_mem>>)
    } else {
    }
    %ne3A = arith.constant 0 : i32
    %ne3A_11 = arith.cmpi ne, %arg0, %ne3A : i32
    %convert_element_type3A_12 = arith.extui %ne3A_11 : i1 to i32
    %cond3A_13 = arith.constant 0 : i32
    %cond3A_14 = arith.cmpi ne, %convert_element_type3A_12, %cond3A_13 : i32
    scf.if %cond3A_14 {
      %dma_start3A = arith.constant 0 : i32
      %dma_start3A_36 = tpu.memref_slice %arg3[%add3A_5, %dma_start3A] : memref<320000x128xf32, #tpu.memory_space<hbm>> -> memref<160x128xf32, #tpu.memory_space<hbm>>
      %dma_start3A_37 = arith.constant 0 : i32
      %dma_start3A_38 = tpu.memref_slice %arg3[%add3A_5, %dma_start3A_37] : memref<320000x128xf32, #tpu.memory_space<hbm>> -> memref<160x128xf32, #tpu.memory_space<hbm>>
      tpu.enqueue_dma source(%dma_start3A_38 : memref<160x128xf32, #tpu.memory_space<hbm>>) target(%arg10 : memref<160x128xf32, #tpu.memory_space<vmem>>) target_semaphore(%arg13 : memref<!tpu.dma_semaphore, #tpu.memory_space<semaphore_mem>>)
    } else {
    }
    %scan3A = arith.constant 0 : i32
    %scan3A_15 = arith.constant 0 : i32
    %scan3A_16 = arith.constant 62 : i32
    %scan3A_17 = arith.addi %scan3A_15, %scan3A_16 : i32
    %scan3A_18 = arith.constant 1 : i32
    scf.for %scan3A_36 = %scan3A_15 to %scan3A_17 step %scan3A_18  : i32 {
      %mul3A_37 = arith.constant 2 : i32
      %mul3A_38 = arith.muli %mul3A_37, %scan3A_36 : i32
      %add3A_39 = arith.constant 1 : i32
      %add3A_40 = arith.addi %mul3A_38, %add3A_39 : i32
      %dma_wait3A_41 = arith.constant 0 : i32
      %dma_wait3A_42 = arith.constant 0 : i32
      %dma_wait3A_43 = tpu.memref_slice %arg2[%dma_wait3A_41, %dma_wait3A_42] : memref<320000x128xf32, #tpu.memory_space<hbm>> -> memref<160x128xf32, #tpu.memory_space<hbm>>
      %dma_wait3A_44 = arith.constant 0 : i32
      %dma_wait3A_45 = arith.constant 0 : i32
      %dma_wait3A_46 = tpu.memref_slice %arg2[%dma_wait3A_44, %dma_wait3A_45] : memref<320000x128xf32, #tpu.memory_space<hbm>> -> memref<160x128xf32, #tpu.memory_space<hbm>>
      tpu.wait_dma2 semaphore(%arg13 : memref<!tpu.dma_semaphore, #tpu.memory_space<semaphore_mem>>) src(%dma_wait3A_46 : memref<160x128xf32, #tpu.memory_space<hbm>>) dst(%arg10 : memref<160x128xf32, #tpu.memory_space<vmem>>)
      %mul3A_47 = arith.constant 160 : i32
      %mul3A_48 = arith.muli %add3A_40, %mul3A_47 : i32
      %add3A_49 = arith.addi %mul3A_4, %mul3A_48 : i32
      "tpu.region"() ({
        %run_scoped3A = tpu.sem_alloc : memref<!tpu.dma_semaphore, #tpu.memory_space<semaphore_mem>>
        %dma_start3A = tpu.memref_slice %arg4[%add3A_49] : memref<320000xi32, #tpu.memory_space<hbm>> -> memref<160xi32, #tpu.memory_space<hbm>>
        %dma_start3A_72 = tpu.memref_slice %arg4[%add3A_49] : memref<320000xi32, #tpu.memory_space<hbm>> -> memref<160xi32, #tpu.memory_space<hbm>>
        tpu.enqueue_dma source(%dma_start3A_72 : memref<160xi32, #tpu.memory_space<hbm>>) target(%arg9 : memref<160xi32, #tpu.memory_space<vmem>>) target_semaphore(%run_scoped3A : memref<!tpu.dma_semaphore, #tpu.memory_space<semaphore_mem>>)
        %dma_wait3A_73 = tpu.memref_slice %arg4[%add3A_49] : memref<320000xi32, #tpu.memory_space<hbm>> -> memref<160xi32, #tpu.memory_space<hbm>>
        %dma_wait3A_74 = tpu.memref_slice %arg4[%add3A_49] : memref<320000xi32, #tpu.memory_space<hbm>> -> memref<160xi32, #tpu.memory_space<hbm>>
        tpu.wait_dma2 semaphore(%run_scoped3A : memref<!tpu.dma_semaphore, #tpu.memory_space<semaphore_mem>>) src(%dma_wait3A_74 : memref<160xi32, #tpu.memory_space<hbm>>) dst(%arg9 : memref<160xi32, #tpu.memory_space<vmem>>)
        tpu.yield
      }) : () -> ()
      %eq3A_50 = arith.constant 0 : i32
      %eq3A_51 = arith.cmpi eq, %arg0, %eq3A_50 : i32
      %convert_element_type3A_52 = arith.extui %eq3A_51 : i1 to i32
      %cond3A_53 = arith.constant 0 : i32
      %cond3A_54 = arith.cmpi ne, %convert_element_type3A_52, %cond3A_53 : i32
      scf.if %cond3A_54 {
        %dma_start3A = arith.constant 0 : i32
        %dma_start3A_72 = tpu.memref_slice %arg2[%add3A_49, %dma_start3A] : memref<320000x128xf32, #tpu.memory_space<hbm>> -> memref<160x128xf32, #tpu.memory_space<hbm>>
        %dma_start3A_73 = arith.constant 0 : i32
        %dma_start3A_74 = tpu.memref_slice %arg2[%add3A_49, %dma_start3A_73] : memref<320000x128xf32, #tpu.memory_space<hbm>> -> memref<160x128xf32, #tpu.memory_space<hbm>>
        tpu.enqueue_dma source(%dma_start3A_74 : memref<160x128xf32, #tpu.memory_space<hbm>>) target(%arg11 : memref<160x128xf32, #tpu.memory_space<vmem>>) target_semaphore(%arg14 : memref<!tpu.dma_semaphore, #tpu.memory_space<semaphore_mem>>)
      } else {
      }
      %ne3A_55 = arith.constant 0 : i32
      %ne3A_56 = arith.cmpi ne, %arg0, %ne3A_55 : i32
      %convert_element_type3A_57 = arith.extui %ne3A_56 : i1 to i32
      %cond3A_58 = arith.constant 0 : i32
      %cond3A_59 = arith.cmpi ne, %convert_element_type3A_57, %cond3A_58 : i32
      scf.if %cond3A_59 {
        %dma_start3A = arith.constant 0 : i32
        %dma_start3A_72 = tpu.memref_slice %arg3[%add3A_49, %dma_start3A] : memref<320000x128xf32, #tpu.memory_space<hbm>> -> memref<160x128xf32, #tpu.memory_space<hbm>>
        %dma_start3A_73 = arith.constant 0 : i32
        %dma_start3A_74 = tpu.memref_slice %arg3[%add3A_49, %dma_start3A_73] : memref<320000x128xf32, #tpu.memory_space<hbm>> -> memref<160x128xf32, #tpu.memory_space<hbm>>
        tpu.enqueue_dma source(%dma_start3A_74 : memref<160x128xf32, #tpu.memory_space<hbm>>) target(%arg11 : memref<160x128xf32, #tpu.memory_space<vmem>>) target_semaphore(%arg14 : memref<!tpu.dma_semaphore, #tpu.memory_space<semaphore_mem>>)
      } else {
      }
      "tpu.region"() ({
        %run_scoped3A = tpu.sem_alloc : memref<!tpu.dma_semaphore, #tpu.memory_space<semaphore_mem>>
        %dma_start3A = arith.constant 0 : i32
        %dma_start3A_72 = arith.constant 0 : i32
        %dma_start3A_73 = tpu.memref_slice %arg12[%dma_start3A, %dma_start3A_72] : memref<10000x128xf32, #tpu.memory_space<vmem_shared>> -> memref<10000x128xf32, #tpu.memory_space<vmem_shared>>
        tpu.enqueue_indirect_dma source(%arg10 : memref<160x128xf32, #tpu.memory_space<vmem>>) target(%dma_start3A_73 : memref<10000x128xf32, #tpu.memory_space<vmem_shared>>) offsets(%arg8 : memref<160xi32, #tpu.memory_space<vmem>>) semaphore(%run_scoped3A : memref<!tpu.dma_semaphore, #tpu.memory_space<semaphore_mem>>) {add = true}
        %dma_wait3A_74 = arith.constant 0 : i32
        %dma_wait3A_75 = arith.constant 0 : i32
        %dma_wait3A_76 = tpu.memref_slice %arg12[%dma_wait3A_74, %dma_wait3A_75] : memref<10000x128xf32, #tpu.memory_space<vmem_shared>> -> memref<10000x128xf32, #tpu.memory_space<vmem_shared>>
        tpu.wait_indirect_dma semaphore(%run_scoped3A : memref<!tpu.dma_semaphore, #tpu.memory_space<semaphore_mem>>) src(%arg10 : memref<160x128xf32, #tpu.memory_space<vmem>>) dst(%dma_wait3A_76 : memref<10000x128xf32, #tpu.memory_space<vmem_shared>>)
        tpu.yield
      }) : () -> ()
      %dma_wait3A_60 = arith.constant 0 : i32
      %dma_wait3A_61 = arith.constant 0 : i32
      %dma_wait3A_62 = tpu.memref_slice %arg2[%dma_wait3A_60, %dma_wait3A_61] : memref<320000x128xf32, #tpu.memory_space<hbm>> -> memref<160x128xf32, #tpu.memory_space<hbm>>
      %dma_wait3A_63 = arith.constant 0 : i32
      %dma_wait3A_64 = arith.constant 0 : i32
      %dma_wait3A_65 = tpu.memref_slice %arg2[%dma_wait3A_63, %dma_wait3A_64] : memref<320000x128xf32, #tpu.memory_space<hbm>> -> memref<160x128xf32, #tpu.memory_space<hbm>>
      tpu.wait_dma2 semaphore(%arg14 : memref<!tpu.dma_semaphore, #tpu.memory_space<semaphore_mem>>) src(%dma_wait3A_65 : memref<160x128xf32, #tpu.memory_space<hbm>>) dst(%arg11 : memref<160x128xf32, #tpu.memory_space<vmem>>)
      %add3A_66 = arith.constant 1 : i32
      %add3A_67 = arith.addi %add3A_40, %add3A_66 : i32
      %lt3A = arith.constant 125 : i32
      %lt3A_68 = arith.cmpi slt, %add3A_67, %lt3A : i32
      %convert_element_type3A_69 = arith.extui %lt3A_68 : i1 to i32
      %cond3A_70 = arith.constant 0 : i32
      %cond3A_71 = arith.cmpi ne, %convert_element_type3A_69, %cond3A_70 : i32
      scf.if %cond3A_71 {
        %add3A_72 = arith.constant 1 : i32
        %add3A_73 = arith.addi %add3A_40, %add3A_72 : i32
        %mul3A_74 = arith.constant 160 : i32
        %mul3A_75 = arith.muli %add3A_73, %mul3A_74 : i32
        %add3A_76 = arith.addi %mul3A_4, %mul3A_75 : i32
        "tpu.region"() ({
          %run_scoped3A = tpu.sem_alloc : memref<!tpu.dma_semaphore, #tpu.memory_space<semaphore_mem>>
          %dma_start3A = tpu.memref_slice %arg4[%add3A_76] : memref<320000xi32, #tpu.memory_space<hbm>> -> memref<160xi32, #tpu.memory_space<hbm>>
          %dma_start3A_87 = tpu.memref_slice %arg4[%add3A_76] : memref<320000xi32, #tpu.memory_space<hbm>> -> memref<160xi32, #tpu.memory_space<hbm>>
          tpu.enqueue_dma source(%dma_start3A_87 : memref<160xi32, #tpu.memory_space<hbm>>) target(%arg8 : memref<160xi32, #tpu.memory_space<vmem>>) target_semaphore(%run_scoped3A : memref<!tpu.dma_semaphore, #tpu.memory_space<semaphore_mem>>)
          %dma_wait3A_88 = tpu.memref_slice %arg4[%add3A_76] : memref<320000xi32, #tpu.memory_space<hbm>> -> memref<160xi32, #tpu.memory_space<hbm>>
          %dma_wait3A_89 = tpu.memref_slice %arg4[%add3A_76] : memref<320000xi32, #tpu.memory_space<hbm>> -> memref<160xi32, #tpu.memory_space<hbm>>
          tpu.wait_dma2 semaphore(%run_scoped3A : memref<!tpu.dma_semaphore, #tpu.memory_space<semaphore_mem>>) src(%dma_wait3A_89 : memref<160xi32, #tpu.memory_space<hbm>>) dst(%arg8 : memref<160xi32, #tpu.memory_space<vmem>>)
          tpu.yield
        }) : () -> ()
        %eq3A_77 = arith.constant 0 : i32
        %eq3A_78 = arith.cmpi eq, %arg0, %eq3A_77 : i32
        %convert_element_type3A_79 = arith.extui %eq3A_78 : i1 to i32
        %cond3A_80 = arith.constant 0 : i32
        %cond3A_81 = arith.cmpi ne, %convert_element_type3A_79, %cond3A_80 : i32
        scf.if %cond3A_81 {
          %dma_start3A = arith.constant 0 : i32
          %dma_start3A_87 = tpu.memref_slice %arg2[%add3A_76, %dma_start3A] : memref<320000x128xf32, #tpu.memory_space<hbm>> -> memref<160x128xf32, #tpu.memory_space<hbm>>
          %dma_start3A_88 = arith.constant 0 : i32
          %dma_start3A_89 = tpu.memref_slice %arg2[%add3A_76, %dma_start3A_88] : memref<320000x128xf32, #tpu.memory_space<hbm>> -> memref<160x128xf32, #tpu.memory_space<hbm>>
          tpu.enqueue_dma source(%dma_start3A_89 : memref<160x128xf32, #tpu.memory_space<hbm>>) target(%arg10 : memref<160x128xf32, #tpu.memory_space<vmem>>) target_semaphore(%arg13 : memref<!tpu.dma_semaphore, #tpu.memory_space<semaphore_mem>>)
        } else {
        }
        %ne3A_82 = arith.constant 0 : i32
        %ne3A_83 = arith.cmpi ne, %arg0, %ne3A_82 : i32
        %convert_element_type3A_84 = arith.extui %ne3A_83 : i1 to i32
        %cond3A_85 = arith.constant 0 : i32
        %cond3A_86 = arith.cmpi ne, %convert_element_type3A_84, %cond3A_85 : i32
        scf.if %cond3A_86 {
          %dma_start3A = arith.constant 0 : i32
          %dma_start3A_87 = tpu.memref_slice %arg3[%add3A_76, %dma_start3A] : memref<320000x128xf32, #tpu.memory_space<hbm>> -> memref<160x128xf32, #tpu.memory_space<hbm>>
          %dma_start3A_88 = arith.constant 0 : i32
          %dma_start3A_89 = tpu.memref_slice %arg3[%add3A_76, %dma_start3A_88] : memref<320000x128xf32, #tpu.memory_space<hbm>> -> memref<160x128xf32, #tpu.memory_space<hbm>>
          tpu.enqueue_dma source(%dma_start3A_89 : memref<160x128xf32, #tpu.memory_space<hbm>>) target(%arg10 : memref<160x128xf32, #tpu.memory_space<vmem>>) target_semaphore(%arg13 : memref<!tpu.dma_semaphore, #tpu.memory_space<semaphore_mem>>)
        } else {
        }
      } else {
      }
      "tpu.region"() ({
        %run_scoped3A = tpu.sem_alloc : memref<!tpu.dma_semaphore, #tpu.memory_space<semaphore_mem>>
        %dma_start3A = arith.constant 0 : i32
        %dma_start3A_72 = arith.constant 0 : i32
        %dma_start3A_73 = tpu.memref_slice %arg12[%dma_start3A, %dma_start3A_72] : memref<10000x128xf32, #tpu.memory_space<vmem_shared>> -> memref<10000x128xf32, #tpu.memory_space<vmem_shared>>
        tpu.enqueue_indirect_dma source(%arg11 : memref<160x128xf32, #tpu.memory_space<vmem>>) target(%dma_start3A_73 : memref<10000x128xf32, #tpu.memory_space<vmem_shared>>) offsets(%arg9 : memref<160xi32, #tpu.memory_space<vmem>>) semaphore(%run_scoped3A : memref<!tpu.dma_semaphore, #tpu.memory_space<semaphore_mem>>) {add = true}
        %dma_wait3A_74 = arith.constant 0 : i32
        %dma_wait3A_75 = arith.constant 0 : i32
        %dma_wait3A_76 = tpu.memref_slice %arg12[%dma_wait3A_74, %dma_wait3A_75] : memref<10000x128xf32, #tpu.memory_space<vmem_shared>> -> memref<10000x128xf32, #tpu.memory_space<vmem_shared>>
        tpu.wait_indirect_dma semaphore(%run_scoped3A : memref<!tpu.dma_semaphore, #tpu.memory_space<semaphore_mem>>) src(%arg11 : memref<160x128xf32, #tpu.memory_space<vmem>>) dst(%dma_wait3A_76 : memref<10000x128xf32, #tpu.memory_space<vmem_shared>>)
        tpu.yield
      }) : () -> ()
    }
    %scan3A_19 = arith.constant 62 : i32
    %dma_wait3A = arith.constant 0 : i32
    %dma_wait3A_20 = arith.constant 0 : i32
    %dma_wait3A_21 = tpu.memref_slice %arg2[%dma_wait3A, %dma_wait3A_20] : memref<320000x128xf32, #tpu.memory_space<hbm>> -> memref<160x128xf32, #tpu.memory_space<hbm>>
    %dma_wait3A_22 = arith.constant 0 : i32
    %dma_wait3A_23 = arith.constant 0 : i32
    %dma_wait3A_24 = tpu.memref_slice %arg2[%dma_wait3A_22, %dma_wait3A_23] : memref<320000x128xf32, #tpu.memory_space<hbm>> -> memref<160x128xf32, #tpu.memory_space<hbm>>
    tpu.wait_dma2 semaphore(%arg13 : memref<!tpu.dma_semaphore, #tpu.memory_space<semaphore_mem>>) src(%dma_wait3A_24 : memref<160x128xf32, #tpu.memory_space<hbm>>) dst(%arg10 : memref<160x128xf32, #tpu.memory_space<vmem>>)
    "tpu.region"() ({
      %run_scoped3A = tpu.sem_alloc : memref<!tpu.dma_semaphore, #tpu.memory_space<semaphore_mem>>
      %dma_start3A = arith.constant 0 : i32
      %dma_start3A_36 = arith.constant 0 : i32
      %dma_start3A_37 = tpu.memref_slice %arg12[%dma_start3A, %dma_start3A_36] : memref<10000x128xf32, #tpu.memory_space<vmem_shared>> -> memref<10000x128xf32, #tpu.memory_space<vmem_shared>>
      tpu.enqueue_indirect_dma source(%arg10 : memref<160x128xf32, #tpu.memory_space<vmem>>) target(%dma_start3A_37 : memref<10000x128xf32, #tpu.memory_space<vmem_shared>>) offsets(%arg8 : memref<160xi32, #tpu.memory_space<vmem>>) semaphore(%run_scoped3A : memref<!tpu.dma_semaphore, #tpu.memory_space<semaphore_mem>>) {add = true}
      %dma_wait3A_38 = arith.constant 0 : i32
      %dma_wait3A_39 = arith.constant 0 : i32
      %dma_wait3A_40 = tpu.memref_slice %arg12[%dma_wait3A_38, %dma_wait3A_39] : memref<10000x128xf32, #tpu.memory_space<vmem_shared>> -> memref<10000x128xf32, #tpu.memory_space<vmem_shared>>
      tpu.wait_indirect_dma semaphore(%run_scoped3A : memref<!tpu.dma_semaphore, #tpu.memory_space<semaphore_mem>>) src(%arg10 : memref<160x128xf32, #tpu.memory_space<vmem>>) dst(%dma_wait3A_40 : memref<10000x128xf32, #tpu.memory_space<vmem_shared>>)
      tpu.yield
    }) : () -> ()
    %barrier3A_25 = arith.constant 0 : index
    tpu.barrier barrier_id(%barrier3A_25)
    %eq3A_26 = arith.constant 0 : i32
    %eq3A_27 = arith.cmpi eq, %arg0, %eq3A_26 : i32
    %convert_element_type3A_28 = arith.extui %eq3A_27 : i1 to i32
    %cond3A_29 = arith.constant 0 : i32
    %cond3A_30 = arith.cmpi ne, %convert_element_type3A_28, %cond3A_29 : i32
    scf.if %cond3A_30 {
      "tpu.region"() ({
        %run_scoped3A = tpu.sem_alloc : memref<!tpu.dma_semaphore, #tpu.memory_space<semaphore_mem>>
        %dma_start3A = arith.constant 0 : i32
        %dma_start3A_41 = tpu.memref_slice %arg6[%mul3A_0, %dma_start3A] : memref<10000x128xf32, #tpu.memory_space<hbm>> -> memref<624x128xf32, #tpu.memory_space<hbm>>
        %dma_start3A_42 = arith.constant 0 : i32
        %dma_start3A_43 = tpu.memref_slice %arg12[%mul3A_0, %dma_start3A_42] : memref<10000x128xf32, #tpu.memory_space<vmem_shared>> -> memref<624x128xf32, #tpu.memory_space<vmem_shared>>
        tpu.enqueue_dma source(%dma_start3A_43 : memref<624x128xf32, #tpu.memory_space<vmem_shared>>) target(%dma_start3A_41 : memref<624x128xf32, #tpu.memory_space<hbm>>) target_semaphore(%run_scoped3A : memref<!tpu.dma_semaphore, #tpu.memory_space<semaphore_mem>>)
        %dma_wait3A_44 = arith.constant 0 : i32
        %dma_wait3A_45 = tpu.memref_slice %arg6[%mul3A_0, %dma_wait3A_44] : memref<10000x128xf32, #tpu.memory_space<hbm>> -> memref<624x128xf32, #tpu.memory_space<hbm>>
        %dma_wait3A_46 = arith.constant 0 : i32
        %dma_wait3A_47 = tpu.memref_slice %arg12[%mul3A_0, %dma_wait3A_46] : memref<10000x128xf32, #tpu.memory_space<vmem_shared>> -> memref<624x128xf32, #tpu.memory_space<vmem_shared>>
        tpu.wait_dma2 semaphore(%run_scoped3A : memref<!tpu.dma_semaphore, #tpu.memory_space<semaphore_mem>>) src(%dma_wait3A_47 : memref<624x128xf32, #tpu.memory_space<vmem_shared>>) dst(%dma_wait3A_45 : memref<624x128xf32, #tpu.memory_space<hbm>>)
        tpu.yield
      }) : () -> ()
      %eq3A_36 = arith.constant 0 : i32
      %eq3A_37 = arith.cmpi eq, %arg1, %eq3A_36 : i32
      %convert_element_type3A_38 = arith.extui %eq3A_37 : i1 to i32
      %cond3A_39 = arith.constant 0 : i32
      %cond3A_40 = arith.cmpi ne, %convert_element_type3A_38, %cond3A_39 : i32
      scf.if %cond3A_40 {
        "tpu.region"() ({
          %run_scoped3A = tpu.sem_alloc : memref<!tpu.dma_semaphore, #tpu.memory_space<semaphore_mem>>
          %dma_start3A = arith.constant 9984 : i32
          %dma_start3A_41 = arith.constant 0 : i32
          %dma_start3A_42 = tpu.memref_slice %arg6[%dma_start3A, %dma_start3A_41] : memref<10000x128xf32, #tpu.memory_space<hbm>> -> memref<16x128xf32, #tpu.memory_space<hbm>>
          %dma_start3A_43 = arith.constant 9984 : i32
          %dma_start3A_44 = arith.constant 0 : i32
          %dma_start3A_45 = tpu.memref_slice %arg12[%dma_start3A_43, %dma_start3A_44] : memref<10000x128xf32, #tpu.memory_space<vmem_shared>> -> memref<16x128xf32, #tpu.memory_space<vmem_shared>>
          tpu.enqueue_dma source(%dma_start3A_45 : memref<16x128xf32, #tpu.memory_space<vmem_shared>>) target(%dma_start3A_42 : memref<16x128xf32, #tpu.memory_space<hbm>>) target_semaphore(%run_scoped3A : memref<!tpu.dma_semaphore, #tpu.memory_space<semaphore_mem>>)
          %dma_wait3A_46 = arith.constant 9984 : i32
          %dma_wait3A_47 = arith.constant 0 : i32
          %dma_wait3A_48 = tpu.memref_slice %arg6[%dma_wait3A_46, %dma_wait3A_47] : memref<10000x128xf32, #tpu.memory_space<hbm>> -> memref<16x128xf32, #tpu.memory_space<hbm>>
          %dma_wait3A_49 = arith.constant 9984 : i32
          %dma_wait3A_50 = arith.constant 0 : i32
          %dma_wait3A_51 = tpu.memref_slice %arg12[%dma_wait3A_49, %dma_wait3A_50] : memref<10000x128xf32, #tpu.memory_space<vmem_shared>> -> memref<16x128xf32, #tpu.memory_space<vmem_shared>>
          tpu.wait_dma2 semaphore(%run_scoped3A : memref<!tpu.dma_semaphore, #tpu.memory_space<semaphore_mem>>) src(%dma_wait3A_51 : memref<16x128xf32, #tpu.memory_space<vmem_shared>>) dst(%dma_wait3A_48 : memref<16x128xf32, #tpu.memory_space<hbm>>)
          tpu.yield
        }) : () -> ()
      } else {
      }
    } else {
    }
    %ne3A_31 = arith.constant 0 : i32
    %ne3A_32 = arith.cmpi ne, %arg0, %ne3A_31 : i32
    %convert_element_type3A_33 = arith.extui %ne3A_32 : i1 to i32
    %cond3A_34 = arith.constant 0 : i32
    %cond3A_35 = arith.cmpi ne, %convert_element_type3A_33, %cond3A_34 : i32
    scf.if %cond3A_35 {
      "tpu.region"() ({
        %run_scoped3A = tpu.sem_alloc : memref<!tpu.dma_semaphore, #tpu.memory_space<semaphore_mem>>
        %dma_start3A = arith.constant 0 : i32
        %dma_start3A_41 = tpu.memref_slice %arg7[%mul3A_0, %dma_start3A] : memref<10000x128xf32, #tpu.memory_space<hbm>> -> memref<624x128xf32, #tpu.memory_space<hbm>>
        %dma_start3A_42 = arith.constant 0 : i32
        %dma_start3A_43 = tpu.memref_slice %arg12[%mul3A_0, %dma_start3A_42] : memref<10000x128xf32, #tpu.memory_space<vmem_shared>> -> memref<624x128xf32, #tpu.memory_space<vmem_shared>>
        tpu.enqueue_dma source(%dma_start3A_43 : memref<624x128xf32, #tpu.memory_space<vmem_shared>>) target(%dma_start3A_41 : memref<624x128xf32, #tpu.memory_space<hbm>>) target_semaphore(%run_scoped3A : memref<!tpu.dma_semaphore, #tpu.memory_space<semaphore_mem>>)
        %dma_wait3A_44 = arith.constant 0 : i32
        %dma_wait3A_45 = tpu.memref_slice %arg7[%mul3A_0, %dma_wait3A_44] : memref<10000x128xf32, #tpu.memory_space<hbm>> -> memref<624x128xf32, #tpu.memory_space<hbm>>
        %dma_wait3A_46 = arith.constant 0 : i32
        %dma_wait3A_47 = tpu.memref_slice %arg12[%mul3A_0, %dma_wait3A_46] : memref<10000x128xf32, #tpu.memory_space<vmem_shared>> -> memref<624x128xf32, #tpu.memory_space<vmem_shared>>
        tpu.wait_dma2 semaphore(%run_scoped3A : memref<!tpu.dma_semaphore, #tpu.memory_space<semaphore_mem>>) src(%dma_wait3A_47 : memref<624x128xf32, #tpu.memory_space<vmem_shared>>) dst(%dma_wait3A_45 : memref<624x128xf32, #tpu.memory_space<hbm>>)
        tpu.yield
      }) : () -> ()
      %eq3A_36 = arith.constant 0 : i32
      %eq3A_37 = arith.cmpi eq, %arg1, %eq3A_36 : i32
      %convert_element_type3A_38 = arith.extui %eq3A_37 : i1 to i32
      %cond3A_39 = arith.constant 0 : i32
      %cond3A_40 = arith.cmpi ne, %convert_element_type3A_38, %cond3A_39 : i32
      scf.if %cond3A_40 {
        "tpu.region"() ({
          %run_scoped3A = tpu.sem_alloc : memref<!tpu.dma_semaphore, #tpu.memory_space<semaphore_mem>>
          %dma_start3A = arith.constant 9984 : i32
          %dma_start3A_41 = arith.constant 0 : i32
          %dma_start3A_42 = tpu.memref_slice %arg7[%dma_start3A, %dma_start3A_41] : memref<10000x128xf32, #tpu.memory_space<hbm>> -> memref<16x128xf32, #tpu.memory_space<hbm>>
          %dma_start3A_43 = arith.constant 9984 : i32
          %dma_start3A_44 = arith.constant 0 : i32
          %dma_start3A_45 = tpu.memref_slice %arg12[%dma_start3A_43, %dma_start3A_44] : memref<10000x128xf32, #tpu.memory_space<vmem_shared>> -> memref<16x128xf32, #tpu.memory_space<vmem_shared>>
          tpu.enqueue_dma source(%dma_start3A_45 : memref<16x128xf32, #tpu.memory_space<vmem_shared>>) target(%dma_start3A_42 : memref<16x128xf32, #tpu.memory_space<hbm>>) target_semaphore(%run_scoped3A : memref<!tpu.dma_semaphore, #tpu.memory_space<semaphore_mem>>)
          %dma_wait3A_46 = arith.constant 9984 : i32
          %dma_wait3A_47 = arith.constant 0 : i32
          %dma_wait3A_48 = tpu.memref_slice %arg7[%dma_wait3A_46, %dma_wait3A_47] : memref<10000x128xf32, #tpu.memory_space<hbm>> -> memref<16x128xf32, #tpu.memory_space<hbm>>
          %dma_wait3A_49 = arith.constant 9984 : i32
          %dma_wait3A_50 = arith.constant 0 : i32
          %dma_wait3A_51 = tpu.memref_slice %arg12[%dma_wait3A_49, %dma_wait3A_50] : memref<10000x128xf32, #tpu.memory_space<vmem_shared>> -> memref<16x128xf32, #tpu.memory_space<vmem_shared>>
          tpu.wait_dma2 semaphore(%run_scoped3A : memref<!tpu.dma_semaphore, #tpu.memory_space<semaphore_mem>>) src(%dma_wait3A_51 : memref<16x128xf32, #tpu.memory_space<vmem_shared>>) dst(%dma_wait3A_48 : memref<16x128xf32, #tpu.memory_space<hbm>>)
          tpu.yield
        }) : () -> ()
      } else {
      }
    } else {
    }
    return
  }
}

#map = affine_map<(d0, d1) -> (0, 0)>
#map1 = affine_map<(d0, d1) -> (0)>
module attributes {stable_mosaic.version = 14 : i64} {
  func.func @k(%arg0: i32, %arg1: i32, %arg2: memref<10000x128xi32, #tpu.memory_space<hbm>>, %arg3: memref<320000xi32, #tpu.memory_space<hbm>>, %arg4: memref<320000xi32, #tpu.memory_space<hbm>>, %arg5: memref<320000x128xi32, #tpu.memory_space<hbm>>, %arg6: memref<320000x128xi32, #tpu.memory_space<hbm>>, %arg7: memref<200xi32, #tpu.memory_space<vmem>>, %arg8: memref<200xi32, #tpu.memory_space<vmem>>, %arg9: memref<200xi32, #tpu.memory_space<vmem>>, %arg10: memref<200xi32, #tpu.memory_space<vmem>>, %arg11: memref<200x128xi32, #tpu.memory_space<vmem>>, %arg12: memref<200x128xi32, #tpu.memory_space<vmem>>, %arg13: memref<200x128xi32, #tpu.memory_space<vmem>>, %arg14: memref<200x128xi32, #tpu.memory_space<vmem>>, %arg15: memref<!tpu.dma_semaphore, #tpu.memory_space<semaphore_mem>>, %arg16: memref<!tpu.dma_semaphore, #tpu.memory_space<semaphore_mem>>, %arg17: memref<!tpu.dma_semaphore, #tpu.memory_space<semaphore_mem>>, %arg18: memref<!tpu.dma_semaphore, #tpu.memory_space<semaphore_mem>>) attributes {dimension_semantics = [#tpu.dimension_semantics<core_parallel>, #tpu.dimension_semantics<subcore_parallel>], iteration_bounds = array<i64: 2, 16>, scalar_prefetch = 0 : i64, scratch_operands = 12 : i64, tpu.core_type = #tpu.core_type<sc_vector_subcore>, window_params = [{transform_indices = #map}, {transform_indices = #map1}, {transform_indices = #map1}, {transform_indices = #map}, {transform_indices = #map}]} {
    %mul3A = arith.constant 2 : i32
    %mul3A_0 = arith.muli %arg1, %mul3A : i32
    %add3A = arith.addi %mul3A_0, %arg0 : i32
    %mul3A_1 = arith.constant 10000 : i32
    %mul3A_2 = arith.muli %add3A, %mul3A_1 : i32
    %add3A_3 = arith.constant 0 : i32
    %add3A_4 = arith.addi %mul3A_2, %add3A_3 : i32
    "tpu.region"() ({
      %run_scoped3A = tpu.sem_alloc : memref<!tpu.dma_semaphore, #tpu.memory_space<semaphore_mem>>
      %dma_start3A_15 = tpu.memref_slice %arg3[%add3A_4] : memref<320000xi32, #tpu.memory_space<hbm>> -> memref<200xi32, #tpu.memory_space<hbm>>
      %dma_start3A_16 = tpu.memref_slice %arg3[%add3A_4] : memref<320000xi32, #tpu.memory_space<hbm>> -> memref<200xi32, #tpu.memory_space<hbm>>
      tpu.enqueue_dma source(%dma_start3A_16 : memref<200xi32, #tpu.memory_space<hbm>>) target(%arg7 : memref<200xi32, #tpu.memory_space<vmem>>) target_semaphore(%run_scoped3A : memref<!tpu.dma_semaphore, #tpu.memory_space<semaphore_mem>>)
      %dma_wait3A = tpu.memref_slice %arg3[%add3A_4] : memref<320000xi32, #tpu.memory_space<hbm>> -> memref<200xi32, #tpu.memory_space<hbm>>
      %dma_wait3A_17 = tpu.memref_slice %arg3[%add3A_4] : memref<320000xi32, #tpu.memory_space<hbm>> -> memref<200xi32, #tpu.memory_space<hbm>>
      tpu.wait_dma2 semaphore(%run_scoped3A : memref<!tpu.dma_semaphore, #tpu.memory_space<semaphore_mem>>) src(%dma_wait3A_17 : memref<200xi32, #tpu.memory_space<hbm>>) dst(%arg7 : memref<200xi32, #tpu.memory_space<vmem>>)
      tpu.yield
    }) : () -> ()
    "tpu.region"() ({
      %run_scoped3A = tpu.sem_alloc : memref<!tpu.dma_semaphore, #tpu.memory_space<semaphore_mem>>
      %dma_start3A_15 = tpu.memref_slice %arg4[%add3A_4] : memref<320000xi32, #tpu.memory_space<hbm>> -> memref<200xi32, #tpu.memory_space<hbm>>
      %dma_start3A_16 = tpu.memref_slice %arg4[%add3A_4] : memref<320000xi32, #tpu.memory_space<hbm>> -> memref<200xi32, #tpu.memory_space<hbm>>
      tpu.enqueue_dma source(%dma_start3A_16 : memref<200xi32, #tpu.memory_space<hbm>>) target(%arg8 : memref<200xi32, #tpu.memory_space<vmem>>) target_semaphore(%run_scoped3A : memref<!tpu.dma_semaphore, #tpu.memory_space<semaphore_mem>>)
      %dma_wait3A = tpu.memref_slice %arg4[%add3A_4] : memref<320000xi32, #tpu.memory_space<hbm>> -> memref<200xi32, #tpu.memory_space<hbm>>
      %dma_wait3A_17 = tpu.memref_slice %arg4[%add3A_4] : memref<320000xi32, #tpu.memory_space<hbm>> -> memref<200xi32, #tpu.memory_space<hbm>>
      tpu.wait_dma2 semaphore(%run_scoped3A : memref<!tpu.dma_semaphore, #tpu.memory_space<semaphore_mem>>) src(%dma_wait3A_17 : memref<200xi32, #tpu.memory_space<hbm>>) dst(%arg8 : memref<200xi32, #tpu.memory_space<vmem>>)
      tpu.yield
    }) : () -> ()
    %dma_start3A = arith.constant 0 : i32
    %dma_start3A_5 = arith.constant 0 : i32
    %dma_start3A_6 = tpu.memref_slice %arg2[%dma_start3A, %dma_start3A_5] : memref<10000x128xi32, #tpu.memory_space<hbm>> -> memref<10000x128xi32, #tpu.memory_space<hbm>>
    tpu.enqueue_indirect_dma source(%dma_start3A_6 : memref<10000x128xi32, #tpu.memory_space<hbm>>) target(%arg11 : memref<200x128xi32, #tpu.memory_space<vmem>>) offsets(%arg7 : memref<200xi32, #tpu.memory_space<vmem>>) semaphore(%arg15 : memref<!tpu.dma_semaphore, #tpu.memory_space<semaphore_mem>>)
    %dma_start3A_7 = arith.constant 0 : i32
    %dma_start3A_8 = arith.constant 0 : i32
    %dma_start3A_9 = tpu.memref_slice %arg2[%dma_start3A_7, %dma_start3A_8] : memref<10000x128xi32, #tpu.memory_space<hbm>> -> memref<10000x128xi32, #tpu.memory_space<hbm>>
    tpu.enqueue_indirect_dma source(%dma_start3A_9 : memref<10000x128xi32, #tpu.memory_space<hbm>>) target(%arg12 : memref<200x128xi32, #tpu.memory_space<vmem>>) offsets(%arg8 : memref<200xi32, #tpu.memory_space<vmem>>) semaphore(%arg16 : memref<!tpu.dma_semaphore, #tpu.memory_space<semaphore_mem>>)
    %scan3A = arith.constant 0 : i32
    %scan3A_10 = arith.constant 0 : i32
    %scan3A_11 = arith.constant 25 : i32
    %scan3A_12 = arith.addi %scan3A_10, %scan3A_11 : i32
    %scan3A_13 = arith.constant 1 : i32
    scf.for %scan3A_15 = %scan3A_10 to %scan3A_12 step %scan3A_13  : i32 {
      %mul3A_16 = arith.constant 2 : i32
      %mul3A_17 = arith.muli %mul3A_16, %scan3A_15 : i32
      %add3A_18 = arith.constant 1 : i32
      %add3A_19 = arith.addi %mul3A_17, %add3A_18 : i32
      %dma_wait3A = arith.constant 0 : i32
      %dma_wait3A_20 = arith.constant 0 : i32
      %dma_wait3A_21 = tpu.memref_slice %arg5[%dma_wait3A, %dma_wait3A_20] : memref<320000x128xi32, #tpu.memory_space<hbm>> -> memref<200x128xi32, #tpu.memory_space<hbm>>
      %dma_wait3A_22 = arith.constant 0 : i32
      %dma_wait3A_23 = arith.constant 0 : i32
      %dma_wait3A_24 = tpu.memref_slice %arg5[%dma_wait3A_22, %dma_wait3A_23] : memref<320000x128xi32, #tpu.memory_space<hbm>> -> memref<200x128xi32, #tpu.memory_space<hbm>>
      tpu.wait_dma2 semaphore(%arg15 : memref<!tpu.dma_semaphore, #tpu.memory_space<semaphore_mem>>) src(%dma_wait3A_24 : memref<200x128xi32, #tpu.memory_space<hbm>>) dst(%arg11 : memref<200x128xi32, #tpu.memory_space<vmem>>)
      %dma_wait3A_25 = arith.constant 0 : i32
      %dma_wait3A_26 = arith.constant 0 : i32
      %dma_wait3A_27 = tpu.memref_slice %arg5[%dma_wait3A_25, %dma_wait3A_26] : memref<320000x128xi32, #tpu.memory_space<hbm>> -> memref<200x128xi32, #tpu.memory_space<hbm>>
      %dma_wait3A_28 = arith.constant 0 : i32
      %dma_wait3A_29 = arith.constant 0 : i32
      %dma_wait3A_30 = tpu.memref_slice %arg5[%dma_wait3A_28, %dma_wait3A_29] : memref<320000x128xi32, #tpu.memory_space<hbm>> -> memref<200x128xi32, #tpu.memory_space<hbm>>
      tpu.wait_dma2 semaphore(%arg16 : memref<!tpu.dma_semaphore, #tpu.memory_space<semaphore_mem>>) src(%dma_wait3A_30 : memref<200x128xi32, #tpu.memory_space<hbm>>) dst(%arg12 : memref<200x128xi32, #tpu.memory_space<vmem>>)
      %mul3A_31 = arith.constant 200 : i32
      %mul3A_32 = arith.muli %add3A_19, %mul3A_31 : i32
      %add3A_33 = arith.addi %mul3A_2, %mul3A_32 : i32
      "tpu.region"() ({
        %run_scoped3A = tpu.sem_alloc : memref<!tpu.dma_semaphore, #tpu.memory_space<semaphore_mem>>
        %dma_start3A_62 = tpu.memref_slice %arg3[%add3A_33] : memref<320000xi32, #tpu.memory_space<hbm>> -> memref<200xi32, #tpu.memory_space<hbm>>
        %dma_start3A_63 = tpu.memref_slice %arg3[%add3A_33] : memref<320000xi32, #tpu.memory_space<hbm>> -> memref<200xi32, #tpu.memory_space<hbm>>
        tpu.enqueue_dma source(%dma_start3A_63 : memref<200xi32, #tpu.memory_space<hbm>>) target(%arg9 : memref<200xi32, #tpu.memory_space<vmem>>) target_semaphore(%run_scoped3A : memref<!tpu.dma_semaphore, #tpu.memory_space<semaphore_mem>>)
        %dma_wait3A_64 = tpu.memref_slice %arg3[%add3A_33] : memref<320000xi32, #tpu.memory_space<hbm>> -> memref<200xi32, #tpu.memory_space<hbm>>
        %dma_wait3A_65 = tpu.memref_slice %arg3[%add3A_33] : memref<320000xi32, #tpu.memory_space<hbm>> -> memref<200xi32, #tpu.memory_space<hbm>>
        tpu.wait_dma2 semaphore(%run_scoped3A : memref<!tpu.dma_semaphore, #tpu.memory_space<semaphore_mem>>) src(%dma_wait3A_65 : memref<200xi32, #tpu.memory_space<hbm>>) dst(%arg9 : memref<200xi32, #tpu.memory_space<vmem>>)
        tpu.yield
      }) : () -> ()
      "tpu.region"() ({
        %run_scoped3A = tpu.sem_alloc : memref<!tpu.dma_semaphore, #tpu.memory_space<semaphore_mem>>
        %dma_start3A_62 = tpu.memref_slice %arg4[%add3A_33] : memref<320000xi32, #tpu.memory_space<hbm>> -> memref<200xi32, #tpu.memory_space<hbm>>
        %dma_start3A_63 = tpu.memref_slice %arg4[%add3A_33] : memref<320000xi32, #tpu.memory_space<hbm>> -> memref<200xi32, #tpu.memory_space<hbm>>
        tpu.enqueue_dma source(%dma_start3A_63 : memref<200xi32, #tpu.memory_space<hbm>>) target(%arg10 : memref<200xi32, #tpu.memory_space<vmem>>) target_semaphore(%run_scoped3A : memref<!tpu.dma_semaphore, #tpu.memory_space<semaphore_mem>>)
        %dma_wait3A_64 = tpu.memref_slice %arg4[%add3A_33] : memref<320000xi32, #tpu.memory_space<hbm>> -> memref<200xi32, #tpu.memory_space<hbm>>
        %dma_wait3A_65 = tpu.memref_slice %arg4[%add3A_33] : memref<320000xi32, #tpu.memory_space<hbm>> -> memref<200xi32, #tpu.memory_space<hbm>>
        tpu.wait_dma2 semaphore(%run_scoped3A : memref<!tpu.dma_semaphore, #tpu.memory_space<semaphore_mem>>) src(%dma_wait3A_65 : memref<200xi32, #tpu.memory_space<hbm>>) dst(%arg10 : memref<200xi32, #tpu.memory_space<vmem>>)
        tpu.yield
      }) : () -> ()
      %dma_start3A_34 = arith.constant 0 : i32
      %dma_start3A_35 = arith.constant 0 : i32
      %dma_start3A_36 = tpu.memref_slice %arg2[%dma_start3A_34, %dma_start3A_35] : memref<10000x128xi32, #tpu.memory_space<hbm>> -> memref<10000x128xi32, #tpu.memory_space<hbm>>
      tpu.enqueue_indirect_dma source(%dma_start3A_36 : memref<10000x128xi32, #tpu.memory_space<hbm>>) target(%arg13 : memref<200x128xi32, #tpu.memory_space<vmem>>) offsets(%arg9 : memref<200xi32, #tpu.memory_space<vmem>>) semaphore(%arg17 : memref<!tpu.dma_semaphore, #tpu.memory_space<semaphore_mem>>)
      %dma_start3A_37 = arith.constant 0 : i32
      %dma_start3A_38 = arith.constant 0 : i32
      %dma_start3A_39 = tpu.memref_slice %arg2[%dma_start3A_37, %dma_start3A_38] : memref<10000x128xi32, #tpu.memory_space<hbm>> -> memref<10000x128xi32, #tpu.memory_space<hbm>>
      tpu.enqueue_indirect_dma source(%dma_start3A_39 : memref<10000x128xi32, #tpu.memory_space<hbm>>) target(%arg14 : memref<200x128xi32, #tpu.memory_space<vmem>>) offsets(%arg10 : memref<200xi32, #tpu.memory_space<vmem>>) semaphore(%arg18 : memref<!tpu.dma_semaphore, #tpu.memory_space<semaphore_mem>>)
      %mul3A_40 = arith.constant 200 : i32
      %mul3A_41 = arith.muli %mul3A_17, %mul3A_40 : i32
      %add3A_42 = arith.addi %mul3A_2, %mul3A_41 : i32
      "tpu.region"() ({
        %run_scoped3A = tpu.sem_alloc : memref<!tpu.dma_semaphore, #tpu.memory_space<semaphore_mem>>
        %dma_start3A_62 = arith.constant 0 : i32
        %dma_start3A_63 = tpu.memref_slice %arg5[%add3A_42, %dma_start3A_62] : memref<320000x128xi32, #tpu.memory_space<hbm>> -> memref<200x128xi32, #tpu.memory_space<hbm>>
        %dma_start3A_64 = arith.constant 0 : i32
        %dma_start3A_65 = tpu.memref_slice %arg5[%add3A_42, %dma_start3A_64] : memref<320000x128xi32, #tpu.memory_space<hbm>> -> memref<200x128xi32, #tpu.memory_space<hbm>>
        tpu.enqueue_dma source(%arg11 : memref<200x128xi32, #tpu.memory_space<vmem>>) target(%dma_start3A_65 : memref<200x128xi32, #tpu.memory_space<hbm>>) target_semaphore(%run_scoped3A : memref<!tpu.dma_semaphore, #tpu.memory_space<semaphore_mem>>)
        %dma_wait3A_66 = arith.constant 0 : i32
        %dma_wait3A_67 = tpu.memref_slice %arg5[%add3A_42, %dma_wait3A_66] : memref<320000x128xi32, #tpu.memory_space<hbm>> -> memref<200x128xi32, #tpu.memory_space<hbm>>
        %dma_wait3A_68 = arith.constant 0 : i32
        %dma_wait3A_69 = tpu.memref_slice %arg5[%add3A_42, %dma_wait3A_68] : memref<320000x128xi32, #tpu.memory_space<hbm>> -> memref<200x128xi32, #tpu.memory_space<hbm>>
        tpu.wait_dma2 semaphore(%run_scoped3A : memref<!tpu.dma_semaphore, #tpu.memory_space<semaphore_mem>>) src(%arg11 : memref<200x128xi32, #tpu.memory_space<vmem>>) dst(%dma_wait3A_69 : memref<200x128xi32, #tpu.memory_space<hbm>>)
        tpu.yield
      }) : () -> ()
      "tpu.region"() ({
        %run_scoped3A = tpu.sem_alloc : memref<!tpu.dma_semaphore, #tpu.memory_space<semaphore_mem>>
        %dma_start3A_62 = arith.constant 0 : i32
        %dma_start3A_63 = tpu.memref_slice %arg6[%add3A_42, %dma_start3A_62] : memref<320000x128xi32, #tpu.memory_space<hbm>> -> memref<200x128xi32, #tpu.memory_space<hbm>>
        %dma_start3A_64 = arith.constant 0 : i32
        %dma_start3A_65 = tpu.memref_slice %arg6[%add3A_42, %dma_start3A_64] : memref<320000x128xi32, #tpu.memory_space<hbm>> -> memref<200x128xi32, #tpu.memory_space<hbm>>
        tpu.enqueue_dma source(%arg12 : memref<200x128xi32, #tpu.memory_space<vmem>>) target(%dma_start3A_65 : memref<200x128xi32, #tpu.memory_space<hbm>>) target_semaphore(%run_scoped3A : memref<!tpu.dma_semaphore, #tpu.memory_space<semaphore_mem>>)
        %dma_wait3A_66 = arith.constant 0 : i32
        %dma_wait3A_67 = tpu.memref_slice %arg6[%add3A_42, %dma_wait3A_66] : memref<320000x128xi32, #tpu.memory_space<hbm>> -> memref<200x128xi32, #tpu.memory_space<hbm>>
        %dma_wait3A_68 = arith.constant 0 : i32
        %dma_wait3A_69 = tpu.memref_slice %arg6[%add3A_42, %dma_wait3A_68] : memref<320000x128xi32, #tpu.memory_space<hbm>> -> memref<200x128xi32, #tpu.memory_space<hbm>>
        tpu.wait_dma2 semaphore(%run_scoped3A : memref<!tpu.dma_semaphore, #tpu.memory_space<semaphore_mem>>) src(%arg12 : memref<200x128xi32, #tpu.memory_space<vmem>>) dst(%dma_wait3A_69 : memref<200x128xi32, #tpu.memory_space<hbm>>)
        tpu.yield
      }) : () -> ()
      %dma_wait3A_43 = arith.constant 0 : i32
      %dma_wait3A_44 = arith.constant 0 : i32
      %dma_wait3A_45 = tpu.memref_slice %arg5[%dma_wait3A_43, %dma_wait3A_44] : memref<320000x128xi32, #tpu.memory_space<hbm>> -> memref<200x128xi32, #tpu.memory_space<hbm>>
      %dma_wait3A_46 = arith.constant 0 : i32
      %dma_wait3A_47 = arith.constant 0 : i32
      %dma_wait3A_48 = tpu.memref_slice %arg5[%dma_wait3A_46, %dma_wait3A_47] : memref<320000x128xi32, #tpu.memory_space<hbm>> -> memref<200x128xi32, #tpu.memory_space<hbm>>
      tpu.wait_dma2 semaphore(%arg17 : memref<!tpu.dma_semaphore, #tpu.memory_space<semaphore_mem>>) src(%dma_wait3A_48 : memref<200x128xi32, #tpu.memory_space<hbm>>) dst(%arg13 : memref<200x128xi32, #tpu.memory_space<vmem>>)
      %dma_wait3A_49 = arith.constant 0 : i32
      %dma_wait3A_50 = arith.constant 0 : i32
      %dma_wait3A_51 = tpu.memref_slice %arg5[%dma_wait3A_49, %dma_wait3A_50] : memref<320000x128xi32, #tpu.memory_space<hbm>> -> memref<200x128xi32, #tpu.memory_space<hbm>>
      %dma_wait3A_52 = arith.constant 0 : i32
      %dma_wait3A_53 = arith.constant 0 : i32
      %dma_wait3A_54 = tpu.memref_slice %arg5[%dma_wait3A_52, %dma_wait3A_53] : memref<320000x128xi32, #tpu.memory_space<hbm>> -> memref<200x128xi32, #tpu.memory_space<hbm>>
      tpu.wait_dma2 semaphore(%arg18 : memref<!tpu.dma_semaphore, #tpu.memory_space<semaphore_mem>>) src(%dma_wait3A_54 : memref<200x128xi32, #tpu.memory_space<hbm>>) dst(%arg14 : memref<200x128xi32, #tpu.memory_space<vmem>>)
      %add3A_55 = arith.constant 1 : i32
      %add3A_56 = arith.addi %add3A_19, %add3A_55 : i32
      %lt3A = arith.constant 50 : i32
      %lt3A_57 = arith.cmpi slt, %add3A_56, %lt3A : i32
      %convert_element_type3A = arith.extui %lt3A_57 : i1 to i32
      %cond3A = arith.constant 0 : i32
      %cond3A_58 = arith.cmpi ne, %convert_element_type3A, %cond3A : i32
      scf.if %cond3A_58 {
        %add3A_62 = arith.constant 1 : i32
        %add3A_63 = arith.addi %add3A_19, %add3A_62 : i32
        %mul3A_64 = arith.constant 200 : i32
        %mul3A_65 = arith.muli %add3A_63, %mul3A_64 : i32
        %add3A_66 = arith.addi %mul3A_2, %mul3A_65 : i32
        "tpu.region"() ({
          %run_scoped3A = tpu.sem_alloc : memref<!tpu.dma_semaphore, #tpu.memory_space<semaphore_mem>>
          %dma_start3A_73 = tpu.memref_slice %arg3[%add3A_66] : memref<320000xi32, #tpu.memory_space<hbm>> -> memref<200xi32, #tpu.memory_space<hbm>>
          %dma_start3A_74 = tpu.memref_slice %arg3[%add3A_66] : memref<320000xi32, #tpu.memory_space<hbm>> -> memref<200xi32, #tpu.memory_space<hbm>>
          tpu.enqueue_dma source(%dma_start3A_74 : memref<200xi32, #tpu.memory_space<hbm>>) target(%arg7 : memref<200xi32, #tpu.memory_space<vmem>>) target_semaphore(%run_scoped3A : memref<!tpu.dma_semaphore, #tpu.memory_space<semaphore_mem>>)
          %dma_wait3A_75 = tpu.memref_slice %arg3[%add3A_66] : memref<320000xi32, #tpu.memory_space<hbm>> -> memref<200xi32, #tpu.memory_space<hbm>>
          %dma_wait3A_76 = tpu.memref_slice %arg3[%add3A_66] : memref<320000xi32, #tpu.memory_space<hbm>> -> memref<200xi32, #tpu.memory_space<hbm>>
          tpu.wait_dma2 semaphore(%run_scoped3A : memref<!tpu.dma_semaphore, #tpu.memory_space<semaphore_mem>>) src(%dma_wait3A_76 : memref<200xi32, #tpu.memory_space<hbm>>) dst(%arg7 : memref<200xi32, #tpu.memory_space<vmem>>)
          tpu.yield
        }) : () -> ()
        "tpu.region"() ({
          %run_scoped3A = tpu.sem_alloc : memref<!tpu.dma_semaphore, #tpu.memory_space<semaphore_mem>>
          %dma_start3A_73 = tpu.memref_slice %arg4[%add3A_66] : memref<320000xi32, #tpu.memory_space<hbm>> -> memref<200xi32, #tpu.memory_space<hbm>>
          %dma_start3A_74 = tpu.memref_slice %arg4[%add3A_66] : memref<320000xi32, #tpu.memory_space<hbm>> -> memref<200xi32, #tpu.memory_space<hbm>>
          tpu.enqueue_dma source(%dma_start3A_74 : memref<200xi32, #tpu.memory_space<hbm>>) target(%arg8 : memref<200xi32, #tpu.memory_space<vmem>>) target_semaphore(%run_scoped3A : memref<!tpu.dma_semaphore, #tpu.memory_space<semaphore_mem>>)
          %dma_wait3A_75 = tpu.memref_slice %arg4[%add3A_66] : memref<320000xi32, #tpu.memory_space<hbm>> -> memref<200xi32, #tpu.memory_space<hbm>>
          %dma_wait3A_76 = tpu.memref_slice %arg4[%add3A_66] : memref<320000xi32, #tpu.memory_space<hbm>> -> memref<200xi32, #tpu.memory_space<hbm>>
          tpu.wait_dma2 semaphore(%run_scoped3A : memref<!tpu.dma_semaphore, #tpu.memory_space<semaphore_mem>>) src(%dma_wait3A_76 : memref<200xi32, #tpu.memory_space<hbm>>) dst(%arg8 : memref<200xi32, #tpu.memory_space<vmem>>)
          tpu.yield
        }) : () -> ()
        %dma_start3A_67 = arith.constant 0 : i32
        %dma_start3A_68 = arith.constant 0 : i32
        %dma_start3A_69 = tpu.memref_slice %arg2[%dma_start3A_67, %dma_start3A_68] : memref<10000x128xi32, #tpu.memory_space<hbm>> -> memref<10000x128xi32, #tpu.memory_space<hbm>>
        tpu.enqueue_indirect_dma source(%dma_start3A_69 : memref<10000x128xi32, #tpu.memory_space<hbm>>) target(%arg11 : memref<200x128xi32, #tpu.memory_space<vmem>>) offsets(%arg7 : memref<200xi32, #tpu.memory_space<vmem>>) semaphore(%arg15 : memref<!tpu.dma_semaphore, #tpu.memory_space<semaphore_mem>>)
        %dma_start3A_70 = arith.constant 0 : i32
        %dma_start3A_71 = arith.constant 0 : i32
        %dma_start3A_72 = tpu.memref_slice %arg2[%dma_start3A_70, %dma_start3A_71] : memref<10000x128xi32, #tpu.memory_space<hbm>> -> memref<10000x128xi32, #tpu.memory_space<hbm>>
        tpu.enqueue_indirect_dma source(%dma_start3A_72 : memref<10000x128xi32, #tpu.memory_space<hbm>>) target(%arg12 : memref<200x128xi32, #tpu.memory_space<vmem>>) offsets(%arg8 : memref<200xi32, #tpu.memory_space<vmem>>) semaphore(%arg16 : memref<!tpu.dma_semaphore, #tpu.memory_space<semaphore_mem>>)
      } else {
      }
      %mul3A_59 = arith.constant 200 : i32
      %mul3A_60 = arith.muli %add3A_19, %mul3A_59 : i32
      %add3A_61 = arith.addi %mul3A_2, %mul3A_60 : i32
      "tpu.region"() ({
        %run_scoped3A = tpu.sem_alloc : memref<!tpu.dma_semaphore, #tpu.memory_space<semaphore_mem>>
        %dma_start3A_62 = arith.constant 0 : i32
        %dma_start3A_63 = tpu.memref_slice %arg5[%add3A_61, %dma_start3A_62] : memref<320000x128xi32, #tpu.memory_space<hbm>> -> memref<200x128xi32, #tpu.memory_space<hbm>>
        %dma_start3A_64 = arith.constant 0 : i32
        %dma_start3A_65 = tpu.memref_slice %arg5[%add3A_61, %dma_start3A_64] : memref<320000x128xi32, #tpu.memory_space<hbm>> -> memref<200x128xi32, #tpu.memory_space<hbm>>
        tpu.enqueue_dma source(%arg13 : memref<200x128xi32, #tpu.memory_space<vmem>>) target(%dma_start3A_65 : memref<200x128xi32, #tpu.memory_space<hbm>>) target_semaphore(%run_scoped3A : memref<!tpu.dma_semaphore, #tpu.memory_space<semaphore_mem>>)
        %dma_wait3A_66 = arith.constant 0 : i32
        %dma_wait3A_67 = tpu.memref_slice %arg5[%add3A_61, %dma_wait3A_66] : memref<320000x128xi32, #tpu.memory_space<hbm>> -> memref<200x128xi32, #tpu.memory_space<hbm>>
        %dma_wait3A_68 = arith.constant 0 : i32
        %dma_wait3A_69 = tpu.memref_slice %arg5[%add3A_61, %dma_wait3A_68] : memref<320000x128xi32, #tpu.memory_space<hbm>> -> memref<200x128xi32, #tpu.memory_space<hbm>>
        tpu.wait_dma2 semaphore(%run_scoped3A : memref<!tpu.dma_semaphore, #tpu.memory_space<semaphore_mem>>) src(%arg13 : memref<200x128xi32, #tpu.memory_space<vmem>>) dst(%dma_wait3A_69 : memref<200x128xi32, #tpu.memory_space<hbm>>)
        tpu.yield
      }) : () -> ()
      "tpu.region"() ({
        %run_scoped3A = tpu.sem_alloc : memref<!tpu.dma_semaphore, #tpu.memory_space<semaphore_mem>>
        %dma_start3A_62 = arith.constant 0 : i32
        %dma_start3A_63 = tpu.memref_slice %arg6[%add3A_61, %dma_start3A_62] : memref<320000x128xi32, #tpu.memory_space<hbm>> -> memref<200x128xi32, #tpu.memory_space<hbm>>
        %dma_start3A_64 = arith.constant 0 : i32
        %dma_start3A_65 = tpu.memref_slice %arg6[%add3A_61, %dma_start3A_64] : memref<320000x128xi32, #tpu.memory_space<hbm>> -> memref<200x128xi32, #tpu.memory_space<hbm>>
        tpu.enqueue_dma source(%arg14 : memref<200x128xi32, #tpu.memory_space<vmem>>) target(%dma_start3A_65 : memref<200x128xi32, #tpu.memory_space<hbm>>) target_semaphore(%run_scoped3A : memref<!tpu.dma_semaphore, #tpu.memory_space<semaphore_mem>>)
        %dma_wait3A_66 = arith.constant 0 : i32
        %dma_wait3A_67 = tpu.memref_slice %arg6[%add3A_61, %dma_wait3A_66] : memref<320000x128xi32, #tpu.memory_space<hbm>> -> memref<200x128xi32, #tpu.memory_space<hbm>>
        %dma_wait3A_68 = arith.constant 0 : i32
        %dma_wait3A_69 = tpu.memref_slice %arg6[%add3A_61, %dma_wait3A_68] : memref<320000x128xi32, #tpu.memory_space<hbm>> -> memref<200x128xi32, #tpu.memory_space<hbm>>
        tpu.wait_dma2 semaphore(%run_scoped3A : memref<!tpu.dma_semaphore, #tpu.memory_space<semaphore_mem>>) src(%arg14 : memref<200x128xi32, #tpu.memory_space<vmem>>) dst(%dma_wait3A_69 : memref<200x128xi32, #tpu.memory_space<hbm>>)
        tpu.yield
      }) : () -> ()
    }
    %scan3A_14 = arith.constant 25 : i32
    return
  }
}

module attributes {stable_mosaic.version = 14 : i64} {
  func.func @_k0_body(%arg0: memref<10000x128xf32, #tpu.memory_space<vmem>>, %arg1: memref<128x256xf32, #tpu.memory_space<vmem>>, %arg2: memref<10000x128xi32, #tpu.memory_space<vmem>>) attributes {dimension_semantics = [], scalar_prefetch = 0 : i64, scratch_operands = 0 : i64, tpu.core_type = #tpu.core_type<tc>} {
    %get3A = arith.constant 0 : index
    %get3A_0 = arith.constant 0 : index
    %get3A_1 = vector.load %arg0[%get3A, %get3A_0] : memref<10000x128xf32, #tpu.memory_space<vmem>>, vector<10000x128xf32>
    %get3A_2 = arith.constant 0 : index
    %get3A_3 = arith.constant 0 : index
    %get3A_4 = vector.load %arg1[%get3A_2, %get3A_3] : memref<128x256xf32, #tpu.memory_space<vmem>>, vector<128x256xf32>
    %dot_general3A = arith.constant dense<0.000000e+00> : vector<10000x256xf32>
    %dot_general3A_5 = tpu.matmul %get3A_1, %get3A_4, %dot_general3A {dimension_numbers = #tpu.dot_dimension_numbers<[1], [0], [0], [1], [0, 0, 1, 1], [], []>, transpose_lhs_hint = false} : vector<10000x128xf32>, vector<128x256xf32>, vector<10000x256xf32> -> vector<10000x256xf32>
    %slice3A = vector.extract_strided_slice %dot_general3A_5 {offsets = [0, 0], sizes = [10000, 128], strides = [1, 1]} : vector<10000x256xf32> to vector<10000x128xf32>
    %slice3A_6 = vector.extract_strided_slice %dot_general3A_5 {offsets = [0, 128], sizes = [10000, 128], strides = [1, 1]} : vector<10000x256xf32> to vector<10000x128xf32>
    %bitcast_convert_type3A = tpu.bitcast %slice3A : vector<10000x128xf32> -> vector<10000x128xi32>
    %add3A = arith.constant 32767 : i32
    %add3A_7 = vector.broadcast %add3A : i32 to vector<10000x128xi32>
    %add3A_8 = arith.addi %bitcast_convert_type3A, %add3A_7 : vector<10000x128xi32>
    %shift_right_arithmetic3A = arith.constant 16 : i32
    %shift_right_arithmetic3A_9 = vector.broadcast %shift_right_arithmetic3A : i32 to vector<10000x128xi32>
    %shift_right_arithmetic3A_10 = arith.shrsi %bitcast_convert_type3A, %shift_right_arithmetic3A_9 : vector<10000x128xi32>
    %and3A = arith.constant 1 : i32
    %and3A_11 = vector.broadcast %and3A : i32 to vector<10000x128xi32>
    %and3A_12 = arith.andi %shift_right_arithmetic3A_10, %and3A_11 : vector<10000x128xi32>
    %add3A_13 = arith.addi %add3A_8, %and3A_12 : vector<10000x128xi32>
    %and3A_14 = arith.constant -65536 : i32
    %and3A_15 = vector.broadcast %and3A_14 : i32 to vector<10000x128xi32>
    %and3A_16 = arith.andi %add3A_13, %and3A_15 : vector<10000x128xi32>
    %bitcast_convert_type3A_17 = tpu.bitcast %slice3A_6 : vector<10000x128xf32> -> vector<10000x128xi32>
    %add3A_18 = arith.constant 32767 : i32
    %add3A_19 = vector.broadcast %add3A_18 : i32 to vector<10000x128xi32>
    %add3A_20 = arith.addi %bitcast_convert_type3A_17, %add3A_19 : vector<10000x128xi32>
    %shift_right_arithmetic3A_21 = arith.constant 16 : i32
    %shift_right_arithmetic3A_22 = vector.broadcast %shift_right_arithmetic3A_21 : i32 to vector<10000x128xi32>
    %shift_right_arithmetic3A_23 = arith.shrsi %bitcast_convert_type3A_17, %shift_right_arithmetic3A_22 : vector<10000x128xi32>
    %and3A_24 = arith.constant 1 : i32
    %and3A_25 = vector.broadcast %and3A_24 : i32 to vector<10000x128xi32>
    %and3A_26 = arith.andi %shift_right_arithmetic3A_23, %and3A_25 : vector<10000x128xi32>
    %add3A_27 = arith.addi %add3A_20, %and3A_26 : vector<10000x128xi32>
    %and3A_28 = arith.constant -65536 : i32
    %and3A_29 = vector.broadcast %and3A_28 : i32 to vector<10000x128xi32>
    %and3A_30 = arith.andi %add3A_27, %and3A_29 : vector<10000x128xi32>
    %shift_right_arithmetic3A_31 = arith.constant 16 : i32
    %shift_right_arithmetic3A_32 = vector.broadcast %shift_right_arithmetic3A_31 : i32 to vector<10000x128xi32>
    %shift_right_arithmetic3A_33 = arith.shrsi %and3A_30, %shift_right_arithmetic3A_32 : vector<10000x128xi32>
    %and3A_34 = arith.constant 65535 : i32
    %and3A_35 = vector.broadcast %and3A_34 : i32 to vector<10000x128xi32>
    %and3A_36 = arith.andi %shift_right_arithmetic3A_33, %and3A_35 : vector<10000x128xi32>
    %or3A = arith.ori %and3A_16, %and3A_36 : vector<10000x128xi32>
    %swap3A = arith.constant 0 : index
    %swap3A_37 = arith.constant 0 : index
    %swap3A_38 = vector.load %arg2[%swap3A, %swap3A_37] : memref<10000x128xi32, #tpu.memory_space<vmem>>, vector<10000x128xi32>
    tpu.vector_store %arg2[%swap3A, %swap3A_37], %or3A {strides = array<i32>} : memref<10000x128xi32, #tpu.memory_space<vmem>>, vector<10000x128xi32>,
    return
  }
}

module attributes {stable_mosaic.version = 14 : i64} {
  func.func @_k2_body(%arg0: i32, %arg1: memref<2560x128xi32, #tpu.memory_space<vmem>>, %arg2: memref<2560x128xi32, #tpu.memory_space<vmem>>, %arg3: memref<2560x4xf32, #tpu.memory_space<vmem>>, %arg4: memref<4x128xf32, #tpu.memory_space<vmem>>, %arg5: memref<1x128xf32, #tpu.memory_space<vmem>>, %arg6: memref<2560x128xi32, #tpu.memory_space<vmem>>, %arg7: memref<2x128xf32, #tpu.memory_space<vmem>>, %arg8: memref<2x128xf32, #tpu.memory_space<vmem>>) attributes {dimension_semantics = [#tpu.dimension_semantics<arbitrary>], iteration_bounds = array<i64: 125>, scalar_prefetch = 0 : i64, scratch_operands = 0 : i64, tpu.core_type = #tpu.core_type<tc>, window_params = [{transform_indices = @transform_0, window_bounds = array<i64: 2560, 128>}, {transform_indices = @transform_1, window_bounds = array<i64: 2560, 128>}, {transform_indices = @transform_2, window_bounds = array<i64: 2560, 4>}, {pipeline_mode = #tpu.pipeline_mode<synchronous>, transform_indices = @transform_3, window_bounds = array<i64: 4, 128>}, {pipeline_mode = #tpu.pipeline_mode<synchronous>, transform_indices = @transform_4, window_bounds = array<i64: 1, 128>}, {transform_indices = @transform_5, window_bounds = array<i64: 2560, 128>}, {pipeline_mode = #tpu.pipeline_mode<synchronous>, transform_indices = @transform_6, window_bounds = array<i64: 2, 128>}, {pipeline_mode = #tpu.pipeline_mode<synchronous>, transform_indices = @transform_7, window_bounds = array<i64: 2, 128>}]} {
    %get3A = arith.constant 0 : index
    %get3A_0 = arith.constant 0 : index
    %get3A_1 = vector.load %arg3[%get3A, %get3A_0] : memref<2560x4xf32, #tpu.memory_space<vmem>>, vector<2560x4xf32>
    %get3A_2 = arith.constant 0 : index
    %get3A_3 = arith.constant 0 : index
    %get3A_4 = vector.load %arg4[%get3A_2, %get3A_3] : memref<4x128xf32, #tpu.memory_space<vmem>>, vector<4x128xf32>
    %dot_general3A = arith.constant dense<0.000000e+00> : vector<2560x128xf32>
    %dot_general3A_5 = tpu.matmul %get3A_1, %get3A_4, %dot_general3A {dimension_numbers = #tpu.dot_dimension_numbers<[1], [0], [0], [1], [0, 0, 1, 1], [], []>, transpose_lhs_hint = false} : vector<2560x4xf32>, vector<4x128xf32>, vector<2560x128xf32> -> vector<2560x128xf32>
    %get3A_6 = arith.constant 0 : index
    %get3A_7 = arith.constant 0 : index
    %get3A_8 = vector.load %arg5[%get3A_6, %get3A_7] : memref<1x128xf32, #tpu.memory_space<vmem>>, vector<1x128xf32>
    %add3A = vector.broadcast %get3A_8 : vector<1x128xf32> to vector<2560x128xf32>
    %add3A_9 = arith.addf %dot_general3A_5, %add3A : vector<2560x128xf32>
    %get3A_10 = arith.constant 0 : index
    %get3A_11 = arith.constant 0 : index
    %get3A_12 = vector.load %arg1[%get3A_10, %get3A_11] : memref<2560x128xi32, #tpu.memory_space<vmem>>, vector<2560x128xi32>
    %get3A_13 = arith.constant 0 : index
    %get3A_14 = arith.constant 0 : index
    %get3A_15 = vector.load %arg2[%get3A_13, %get3A_14] : memref<2560x128xi32, #tpu.memory_space<vmem>>, vector<2560x128xi32>
    %and3A = arith.constant -65536 : i32
    %and3A_16 = vector.broadcast %and3A : i32 to vector<2560x128xi32>
    %and3A_17 = arith.andi %get3A_12, %and3A_16 : vector<2560x128xi32>
    %bitcast_convert_type3A = tpu.bitcast %and3A_17 : vector<2560x128xi32> -> vector<2560x128xf32>
    %shift_left3A = arith.constant 16 : i32
    %shift_left3A_18 = vector.broadcast %shift_left3A : i32 to vector<2560x128xi32>
    %shift_left3A_19 = arith.shli %get3A_15, %shift_left3A_18 : vector<2560x128xi32>
    %bitcast_convert_type3A_20 = tpu.bitcast %shift_left3A_19 : vector<2560x128xi32> -> vector<2560x128xf32>
    %add3A_21 = arith.addf %bitcast_convert_type3A, %bitcast_convert_type3A_20 : vector<2560x128xf32>
    %add3A_22 = arith.addf %add3A_21, %add3A_9 : vector<2560x128xf32>
    %and3A_23 = arith.constant -65536 : i32
    %and3A_24 = vector.broadcast %and3A_23 : i32 to vector<2560x128xi32>
    %and3A_25 = arith.andi %get3A_15, %and3A_24 : vector<2560x128xi32>
    %bitcast_convert_type3A_26 = tpu.bitcast %and3A_25 : vector<2560x128xi32> -> vector<2560x128xf32>
    %shift_left3A_27 = arith.constant 16 : i32
    %shift_left3A_28 = vector.broadcast %shift_left3A_27 : i32 to vector<2560x128xi32>
    %shift_left3A_29 = arith.shli %get3A_12, %shift_left3A_28 : vector<2560x128xi32>
    %bitcast_convert_type3A_30 = tpu.bitcast %shift_left3A_29 : vector<2560x128xi32> -> vector<2560x128xf32>
    %add3A_31 = arith.addf %bitcast_convert_type3A_26, %bitcast_convert_type3A_30 : vector<2560x128xf32>
    %add3A_32 = arith.addf %add3A_31, %add3A_9 : vector<2560x128xf32>
    %bitcast_convert_type3A_33 = tpu.bitcast %add3A_22 : vector<2560x128xf32> -> vector<2560x128xi32>
    %add3A_34 = arith.constant 32767 : i32
    %add3A_35 = vector.broadcast %add3A_34 : i32 to vector<2560x128xi32>
    %add3A_36 = arith.addi %bitcast_convert_type3A_33, %add3A_35 : vector<2560x128xi32>
    %shift_right_arithmetic3A = arith.constant 16 : i32
    %shift_right_arithmetic3A_37 = vector.broadcast %shift_right_arithmetic3A : i32 to vector<2560x128xi32>
    %shift_right_arithmetic3A_38 = arith.shrsi %bitcast_convert_type3A_33, %shift_right_arithmetic3A_37 : vector<2560x128xi32>
    %and3A_39 = arith.constant 1 : i32
    %and3A_40 = vector.broadcast %and3A_39 : i32 to vector<2560x128xi32>
    %and3A_41 = arith.andi %shift_right_arithmetic3A_38, %and3A_40 : vector<2560x128xi32>
    %add3A_42 = arith.addi %add3A_36, %and3A_41 : vector<2560x128xi32>
    %and3A_43 = arith.constant -65536 : i32
    %and3A_44 = vector.broadcast %and3A_43 : i32 to vector<2560x128xi32>
    %and3A_45 = arith.andi %add3A_42, %and3A_44 : vector<2560x128xi32>
    %bitcast_convert_type3A_46 = tpu.bitcast %add3A_32 : vector<2560x128xf32> -> vector<2560x128xi32>
    %add3A_47 = arith.constant 32767 : i32
    %add3A_48 = vector.broadcast %add3A_47 : i32 to vector<2560x128xi32>
    %add3A_49 = arith.addi %bitcast_convert_type3A_46, %add3A_48 : vector<2560x128xi32>
    %shift_right_arithmetic3A_50 = arith.constant 16 : i32
    %shift_right_arithmetic3A_51 = vector.broadcast %shift_right_arithmetic3A_50 : i32 to vector<2560x128xi32>
    %shift_right_arithmetic3A_52 = arith.shrsi %bitcast_convert_type3A_46, %shift_right_arithmetic3A_51 : vector<2560x128xi32>
    %and3A_53 = arith.constant 1 : i32
    %and3A_54 = vector.broadcast %and3A_53 : i32 to vector<2560x128xi32>
    %and3A_55 = arith.andi %shift_right_arithmetic3A_52, %and3A_54 : vector<2560x128xi32>
    %add3A_56 = arith.addi %add3A_49, %and3A_55 : vector<2560x128xi32>
    %and3A_57 = arith.constant -65536 : i32
    %and3A_58 = vector.broadcast %and3A_57 : i32 to vector<2560x128xi32>
    %and3A_59 = arith.andi %add3A_56, %and3A_58 : vector<2560x128xi32>
    %shift_right_arithmetic3A_60 = arith.constant 16 : i32
    %shift_right_arithmetic3A_61 = vector.broadcast %shift_right_arithmetic3A_60 : i32 to vector<2560x128xi32>
    %shift_right_arithmetic3A_62 = arith.shrsi %and3A_59, %shift_right_arithmetic3A_61 : vector<2560x128xi32>
    %and3A_63 = arith.constant 65535 : i32
    %and3A_64 = vector.broadcast %and3A_63 : i32 to vector<2560x128xi32>
    %and3A_65 = arith.andi %shift_right_arithmetic3A_62, %and3A_64 : vector<2560x128xi32>
    %or3A = arith.ori %and3A_45, %and3A_65 : vector<2560x128xi32>
    %swap3A = arith.constant 0 : index
    %swap3A_66 = arith.constant 0 : index
    %swap3A_67 = vector.load %arg6[%swap3A, %swap3A_66] : memref<2560x128xi32, #tpu.memory_space<vmem>>, vector<2560x128xi32>
    tpu.vector_store %arg6[%swap3A, %swap3A_66], %or3A {strides = array<i32>} : memref<2560x128xi32, #tpu.memory_space<vmem>>, vector<2560x128xi32>,
    %reduce_sum3A = arith.constant dense<0.000000e+00> : vector<128xf32>
    %reduce_sum3A_68 = vector.multi_reduction <add>, %add3A_22, %reduce_sum3A [0] : vector<2560x128xf32> to vector<128xf32>
    %broadcast_in_dim3A = vector.shape_cast %reduce_sum3A_68 : vector<128xf32> to vector<1x128xf32>
    %mul3A = arith.mulf %add3A_22, %add3A_22 : vector<2560x128xf32>
    %reduce_sum3A_69 = arith.constant dense<0.000000e+00> : vector<128xf32>
    %reduce_sum3A_70 = vector.multi_reduction <add>, %mul3A, %reduce_sum3A_69 [0] : vector<2560x128xf32> to vector<128xf32>
    %broadcast_in_dim3A_71 = vector.shape_cast %reduce_sum3A_70 : vector<128xf32> to vector<1x128xf32>
    %concatenate3A = tpu.concatenate %broadcast_in_dim3A, %broadcast_in_dim3A_71 in 0 : vector<1x128xf32>, vector<1x128xf32> -> vector<2x128xf32>
    %reduce_sum3A_72 = arith.constant dense<0.000000e+00> : vector<128xf32>
    %reduce_sum3A_73 = vector.multi_reduction <add>, %add3A_32, %reduce_sum3A_72 [0] : vector<2560x128xf32> to vector<128xf32>
    %broadcast_in_dim3A_74 = vector.shape_cast %reduce_sum3A_73 : vector<128xf32> to vector<1x128xf32>
    %mul3A_75 = arith.mulf %add3A_32, %add3A_32 : vector<2560x128xf32>
    %reduce_sum3A_76 = arith.constant dense<0.000000e+00> : vector<128xf32>
    %reduce_sum3A_77 = vector.multi_reduction <add>, %mul3A_75, %reduce_sum3A_76 [0] : vector<2560x128xf32> to vector<128xf32>
    %broadcast_in_dim3A_78 = vector.shape_cast %reduce_sum3A_77 : vector<128xf32> to vector<1x128xf32>
    %concatenate3A_79 = tpu.concatenate %broadcast_in_dim3A_74, %broadcast_in_dim3A_78 in 0 : vector<1x128xf32>, vector<1x128xf32> -> vector<2x128xf32>
    %eq3A = arith.constant 0 : i32
    %eq3A_80 = arith.cmpi eq, %arg0, %eq3A : i32
    %convert_element_type3A = arith.extui %eq3A_80 : i1 to i32
    %cond3A = arith.constant 0 : i32
    %cond3A_81 = arith.cmpi ne, %convert_element_type3A, %cond3A : i32
    scf.if %cond3A_81 {
      %broadcast_in_dim3A_96 = arith.constant 0.000000e+00 : f32
      %broadcast_in_dim3A_97 = vector.broadcast %broadcast_in_dim3A_96 : f32 to vector<2x128xf32>
      %swap3A_98 = arith.constant 0 : index
      %swap3A_99 = arith.constant 0 : index
      %swap3A_100 = vector.load %arg7[%swap3A_98, %swap3A_99] : memref<2x128xf32, #tpu.memory_space<vmem>>, vector<2x128xf32>
      tpu.vector_store %arg7[%swap3A_98, %swap3A_99], %broadcast_in_dim3A_97 {strides = array<i32>} : memref<2x128xf32, #tpu.memory_space<vmem>>, vector<2x128xf32>,
      %broadcast_in_dim3A_101 = arith.constant 0.000000e+00 : f32
      %broadcast_in_dim3A_102 = vector.broadcast %broadcast_in_dim3A_101 : f32 to vector<2x128xf32>
      %swap3A_103 = arith.constant 0 : index
      %swap3A_104 = arith.constant 0 : index
      %swap3A_105 = vector.load %arg8[%swap3A_103, %swap3A_104] : memref<2x128xf32, #tpu.memory_space<vmem>>, vector<2x128xf32>
      tpu.vector_store %arg8[%swap3A_103, %swap3A_104], %broadcast_in_dim3A_102 {strides = array<i32>} : memref<2x128xf32, #tpu.memory_space<vmem>>, vector<2x128xf32>,
    } else {
    }
    %get3A_82 = arith.constant 0 : index
    %get3A_83 = arith.constant 0 : index
    %get3A_84 = vector.load %arg7[%get3A_82, %get3A_83] : memref<2x128xf32, #tpu.memory_space<vmem>>, vector<2x128xf32>
    %add3A_85 = arith.addf %get3A_84, %concatenate3A : vector<2x128xf32>
    %swap3A_86 = arith.constant 0 : index
    %swap3A_87 = arith.constant 0 : index
    %swap3A_88 = vector.load %arg7[%swap3A_86, %swap3A_87] : memref<2x128xf32, #tpu.memory_space<vmem>>, vector<2x128xf32>
    tpu.vector_store %arg7[%swap3A_86, %swap3A_87], %add3A_85 {strides = array<i32>} : memref<2x128xf32, #tpu.memory_space<vmem>>, vector<2x128xf32>,
    %get3A_89 = arith.constant 0 : index
    %get3A_90 = arith.constant 0 : index
    %get3A_91 = vector.load %arg8[%get3A_89, %get3A_90] : memref<2x128xf32, #tpu.memory_space<vmem>>, vector<2x128xf32>
    %add3A_92 = arith.addf %get3A_91, %concatenate3A_79 : vector<2x128xf32>
    %swap3A_93 = arith.constant 0 : index
    %swap3A_94 = arith.constant 0 : index
    %swap3A_95 = vector.load %arg8[%swap3A_93, %swap3A_94] : memref<2x128xf32, #tpu.memory_space<vmem>>, vector<2x128xf32>
    tpu.vector_store %arg8[%swap3A_93, %swap3A_94], %add3A_92 {strides = array<i32>} : memref<2x128xf32, #tpu.memory_space<vmem>>, vector<2x128xf32>,
    return
  }
  func.func @transform_0(%arg0: i32) -> (i32, i32) {
    %c0_i32 = arith.constant 0 : i32
    %c0_i32_0 = arith.constant 0 : i32
    return %arg0, %c0_i32 : i32, i32
  }
  func.func @transform_1(%arg0: i32) -> (i32, i32) {
    %c0_i32 = arith.constant 0 : i32
    %c0_i32_0 = arith.constant 0 : i32
    return %arg0, %c0_i32 : i32, i32
  }
  func.func @transform_2(%arg0: i32) -> (i32, i32) {
    %c0_i32 = arith.constant 0 : i32
    %c0_i32_0 = arith.constant 0 : i32
    return %arg0, %c0_i32 : i32, i32
  }
  func.func @transform_3(%arg0: i32) -> (i32, i32) {
    %c0_i32 = arith.constant 0 : i32
    %c0_i32_0 = arith.constant 0 : i32
    %c0_i32_1 = arith.constant 0 : i32
    return %c0_i32, %c0_i32_0 : i32, i32
  }
  func.func @transform_4(%arg0: i32) -> (i32, i32) {
    %c0_i32 = arith.constant 0 : i32
    %c0_i32_0 = arith.constant 0 : i32
    %c0_i32_1 = arith.constant 0 : i32
    return %c0_i32, %c0_i32_0 : i32, i32
  }
  func.func @transform_5(%arg0: i32) -> (i32, i32) {
    %c0_i32 = arith.constant 0 : i32
    %c0_i32_0 = arith.constant 0 : i32
    return %arg0, %c0_i32 : i32, i32
  }
  func.func @transform_6(%arg0: i32) -> (i32, i32) {
    %c0_i32 = arith.constant 0 : i32
    %c0_i32_0 = arith.constant 0 : i32
    %c0_i32_1 = arith.constant 0 : i32
    return %c0_i32, %c0_i32_0 : i32, i32
  }
  func.func @transform_7(%arg0: i32) -> (i32, i32) {
    %c0_i32 = arith.constant 0 : i32
    %c0_i32_0 = arith.constant 0 : i32
    %c0_i32_1 = arith.constant 0 : i32
    return %c0_i32, %c0_i32_0 : i32, i32
  }
}

module attributes {stable_mosaic.version = 14 : i64} {
  func.func @_k3_body(%arg0: i32, %arg1: memref<2560x128xi32, #tpu.memory_space<vmem>>, %arg2: memref<2x128xf32, #tpu.memory_space<vmem>>, %arg3: memref<2x128xf32, #tpu.memory_space<vmem>>, %arg4: memref<1x128xf32, #tpu.memory_space<vmem>>, %arg5: memref<1x128xf32, #tpu.memory_space<vmem>>, %arg6: memref<128x128xf32, #tpu.memory_space<vmem>>, %arg7: memref<1x128xf32, #tpu.memory_space<vmem>>, %arg8: memref<2560x128xi32, #tpu.memory_space<vmem>>, %arg9: memref<2x128xf32, #tpu.memory_space<vmem>>, %arg10: memref<2x128xf32, #tpu.memory_space<vmem>>) attributes {dimension_semantics = [#tpu.dimension_semantics<arbitrary>], iteration_bounds = array<i64: 125>, scalar_prefetch = 0 : i64, scratch_operands = 0 : i64, tpu.core_type = #tpu.core_type<tc>, window_params = [{transform_indices = @transform_0, window_bounds = array<i64: 2560, 128>}, {pipeline_mode = #tpu.pipeline_mode<synchronous>, transform_indices = @transform_1, window_bounds = array<i64: 2, 128>}, {pipeline_mode = #tpu.pipeline_mode<synchronous>, transform_indices = @transform_2, window_bounds = array<i64: 2, 128>}, {pipeline_mode = #tpu.pipeline_mode<synchronous>, transform_indices = @transform_3, window_bounds = array<i64: 1, 128>}, {pipeline_mode = #tpu.pipeline_mode<synchronous>, transform_indices = @transform_4, window_bounds = array<i64: 1, 128>}, {pipeline_mode = #tpu.pipeline_mode<synchronous>, transform_indices = @transform_5, window_bounds = array<i64: 128, 128>}, {pipeline_mode = #tpu.pipeline_mode<synchronous>, transform_indices = @transform_6, window_bounds = array<i64: 1, 128>}, {transform_indices = @transform_7, window_bounds = array<i64: 2560, 128>}, {pipeline_mode = #tpu.pipeline_mode<synchronous>, transform_indices = @transform_8, window_bounds = array<i64: 2, 128>}, {pipeline_mode = #tpu.pipeline_mode<synchronous>, transform_indices = @transform_9, window_bounds = array<i64: 2, 128>}]} {
    %get3A = arith.constant 0 : index
    %get3A_0 = arith.constant 0 : index
    %get3A_1 = vector.load %arg4[%get3A, %get3A_0] : memref<1x128xf32, #tpu.memory_space<vmem>>, vector<1x128xf32>
    %get3A_2 = arith.constant 0 : index
    %get3A_3 = arith.constant 0 : index
    %get3A_4 = vector.load %arg5[%get3A_2, %get3A_3] : memref<1x128xf32, #tpu.memory_space<vmem>>, vector<1x128xf32>
    %get3A_5 = arith.constant 0 : index
    %get3A_6 = arith.constant 0 : index
    %get3A_7 = vector.load %arg2[%get3A_5, %get3A_6] : memref<2x128xf32, #tpu.memory_space<vmem>>, vector<2x128xf32>
    %slice3A = vector.extract_strided_slice %get3A_7 {offsets = [0, 0], sizes = [1, 128], strides = [1, 1]} : vector<2x128xf32> to vector<1x128xf32>
    %div3A = arith.constant 3.200000e+05 : f32
    %div3A_8 = vector.broadcast %div3A : f32 to vector<1x128xf32>
    %div3A_9 = arith.divf %slice3A, %div3A_8 : vector<1x128xf32>
    %slice3A_10 = vector.extract_strided_slice %get3A_7 {offsets = [1, 0], sizes = [1, 128], strides = [1, 1]} : vector<2x128xf32> to vector<1x128xf32>
    %div3A_11 = arith.constant 3.200000e+05 : f32
    %div3A_12 = vector.broadcast %div3A_11 : f32 to vector<1x128xf32>
    %div3A_13 = arith.divf %slice3A_10, %div3A_12 : vector<1x128xf32>
    %mul3A = arith.mulf %div3A_9, %div3A_9 : vector<1x128xf32>
    %sub3A = arith.subf %div3A_13, %mul3A : vector<1x128xf32>
    %add3A = arith.constant 9.99999974E-6 : f32
    %add3A_14 = vector.broadcast %add3A : f32 to vector<1x128xf32>
    %add3A_15 = arith.addf %sub3A, %add3A_14 : vector<1x128xf32>
    %rsqrt3A = math.rsqrt %add3A_15 : vector<1x128xf32>
    %mul3A_16 = arith.mulf %get3A_1, %rsqrt3A : vector<1x128xf32>
    %mul3A_17 = arith.mulf %div3A_9, %mul3A_16 : vector<1x128xf32>
    %sub3A_18 = arith.subf %get3A_4, %mul3A_17 : vector<1x128xf32>
    %get3A_19 = arith.constant 0 : index
    %get3A_20 = arith.constant 0 : index
    %get3A_21 = vector.load %arg3[%get3A_19, %get3A_20] : memref<2x128xf32, #tpu.memory_space<vmem>>, vector<2x128xf32>
    %slice3A_22 = vector.extract_strided_slice %get3A_21 {offsets = [0, 0], sizes = [1, 128], strides = [1, 1]} : vector<2x128xf32> to vector<1x128xf32>
    %div3A_23 = arith.constant 3.200000e+05 : f32
    %div3A_24 = vector.broadcast %div3A_23 : f32 to vector<1x128xf32>
    %div3A_25 = arith.divf %slice3A_22, %div3A_24 : vector<1x128xf32>
    %slice3A_26 = vector.extract_strided_slice %get3A_21 {offsets = [1, 0], sizes = [1, 128], strides = [1, 1]} : vector<2x128xf32> to vector<1x128xf32>
    %div3A_27 = arith.constant 3.200000e+05 : f32
    %div3A_28 = vector.broadcast %div3A_27 : f32 to vector<1x128xf32>
    %div3A_29 = arith.divf %slice3A_26, %div3A_28 : vector<1x128xf32>
    %mul3A_30 = arith.mulf %div3A_25, %div3A_25 : vector<1x128xf32>
    %sub3A_31 = arith.subf %div3A_29, %mul3A_30 : vector<1x128xf32>
    %add3A_32 = arith.constant 9.99999974E-6 : f32
    %add3A_33 = vector.broadcast %add3A_32 : f32 to vector<1x128xf32>
    %add3A_34 = arith.addf %sub3A_31, %add3A_33 : vector<1x128xf32>
    %rsqrt3A_35 = math.rsqrt %add3A_34 : vector<1x128xf32>
    %mul3A_36 = arith.mulf %get3A_1, %rsqrt3A_35 : vector<1x128xf32>
    %mul3A_37 = arith.mulf %div3A_25, %mul3A_36 : vector<1x128xf32>
    %sub3A_38 = arith.subf %get3A_4, %mul3A_37 : vector<1x128xf32>
    %get3A_39 = arith.constant 0 : index
    %get3A_40 = arith.constant 0 : index
    %get3A_41 = vector.load %arg1[%get3A_39, %get3A_40] : memref<2560x128xi32, #tpu.memory_space<vmem>>, vector<2560x128xi32>
    %and3A = arith.constant -65536 : i32
    %and3A_42 = vector.broadcast %and3A : i32 to vector<2560x128xi32>
    %and3A_43 = arith.andi %get3A_41, %and3A_42 : vector<2560x128xi32>
    %bitcast_convert_type3A = tpu.bitcast %and3A_43 : vector<2560x128xi32> -> vector<2560x128xf32>
    %mul3A_44 = vector.broadcast %mul3A_16 : vector<1x128xf32> to vector<2560x128xf32>
    %mul3A_45 = arith.mulf %bitcast_convert_type3A, %mul3A_44 : vector<2560x128xf32>
    %add3A_46 = vector.broadcast %sub3A_18 : vector<1x128xf32> to vector<2560x128xf32>
    %add3A_47 = arith.addf %mul3A_45, %add3A_46 : vector<2560x128xf32>
    %max3A = arith.constant 0.000000e+00 : f32
    %max3A_48 = vector.broadcast %max3A : f32 to vector<2560x128xf32>
    %max3A_49 = arith.maximumf %add3A_47, %max3A_48 : vector<2560x128xf32>
    %shift_left3A = arith.constant 16 : i32
    %shift_left3A_50 = vector.broadcast %shift_left3A : i32 to vector<2560x128xi32>
    %shift_left3A_51 = arith.shli %get3A_41, %shift_left3A_50 : vector<2560x128xi32>
    %bitcast_convert_type3A_52 = tpu.bitcast %shift_left3A_51 : vector<2560x128xi32> -> vector<2560x128xf32>
    %mul3A_53 = vector.broadcast %mul3A_36 : vector<1x128xf32> to vector<2560x128xf32>
    %mul3A_54 = arith.mulf %bitcast_convert_type3A_52, %mul3A_53 : vector<2560x128xf32>
    %add3A_55 = vector.broadcast %sub3A_38 : vector<1x128xf32> to vector<2560x128xf32>
    %add3A_56 = arith.addf %mul3A_54, %add3A_55 : vector<2560x128xf32>
    %max3A_57 = arith.constant 0.000000e+00 : f32
    %max3A_58 = vector.broadcast %max3A_57 : f32 to vector<2560x128xf32>
    %max3A_59 = arith.maximumf %add3A_56, %max3A_58 : vector<2560x128xf32>
    %get3A_60 = arith.constant 0 : index
    %get3A_61 = arith.constant 0 : index
    %get3A_62 = vector.load %arg6[%get3A_60, %get3A_61] : memref<128x128xf32, #tpu.memory_space<vmem>>, vector<128x128xf32>
    %convert_element_type3A = arith.truncf %get3A_62 : vector<128x128xf32> to vector<128x128xbf16>
    %convert_element_type3A_63 = arith.truncf %max3A_49 : vector<2560x128xf32> to vector<2560x128xbf16>
    %dot_general3A = arith.constant dense<0.000000e+00> : vector<2560x128xf32>
    %dot_general3A_64 = tpu.matmul %convert_element_type3A_63, %convert_element_type3A, %dot_general3A {dimension_numbers = #tpu.dot_dimension_numbers<[1], [0], [0], [1], [0, 0, 1, 1], [], []>, transpose_lhs_hint = false} : vector<2560x128xbf16>, vector<128x128xbf16>, vector<2560x128xf32> -> vector<2560x128xf32>
    %get3A_65 = arith.constant 0 : index
    %get3A_66 = arith.constant 0 : index
    %get3A_67 = vector.load %arg7[%get3A_65, %get3A_66] : memref<1x128xf32, #tpu.memory_space<vmem>>, vector<1x128xf32>
    %add3A_68 = vector.broadcast %get3A_67 : vector<1x128xf32> to vector<2560x128xf32>
    %add3A_69 = arith.addf %dot_general3A_64, %add3A_68 : vector<2560x128xf32>
    %convert_element_type3A_70 = arith.truncf %max3A_59 : vector<2560x128xf32> to vector<2560x128xbf16>
    %dot_general3A_71 = arith.constant dense<0.000000e+00> : vector<2560x128xf32>
    %dot_general3A_72 = tpu.matmul %convert_element_type3A_70, %convert_element_type3A, %dot_general3A_71 {dimension_numbers = #tpu.dot_dimension_numbers<[1], [0], [0], [1], [0, 0, 1, 1], [], []>, transpose_lhs_hint = false} : vector<2560x128xbf16>, vector<128x128xbf16>, vector<2560x128xf32> -> vector<2560x128xf32>
    %get3A_73 = arith.constant 0 : index
    %get3A_74 = arith.constant 0 : index
    %get3A_75 = vector.load %arg7[%get3A_73, %get3A_74] : memref<1x128xf32, #tpu.memory_space<vmem>>, vector<1x128xf32>
    %add3A_76 = vector.broadcast %get3A_75 : vector<1x128xf32> to vector<2560x128xf32>
    %add3A_77 = arith.addf %dot_general3A_72, %add3A_76 : vector<2560x128xf32>
    %bitcast_convert_type3A_78 = tpu.bitcast %add3A_69 : vector<2560x128xf32> -> vector<2560x128xi32>
    %add3A_79 = arith.constant 32767 : i32
    %add3A_80 = vector.broadcast %add3A_79 : i32 to vector<2560x128xi32>
    %add3A_81 = arith.addi %bitcast_convert_type3A_78, %add3A_80 : vector<2560x128xi32>
    %shift_right_arithmetic3A = arith.constant 16 : i32
    %shift_right_arithmetic3A_82 = vector.broadcast %shift_right_arithmetic3A : i32 to vector<2560x128xi32>
    %shift_right_arithmetic3A_83 = arith.shrsi %bitcast_convert_type3A_78, %shift_right_arithmetic3A_82 : vector<2560x128xi32>
    %and3A_84 = arith.constant 1 : i32
    %and3A_85 = vector.broadcast %and3A_84 : i32 to vector<2560x128xi32>
    %and3A_86 = arith.andi %shift_right_arithmetic3A_83, %and3A_85 : vector<2560x128xi32>
    %add3A_87 = arith.addi %add3A_81, %and3A_86 : vector<2560x128xi32>
    %and3A_88 = arith.constant -65536 : i32
    %and3A_89 = vector.broadcast %and3A_88 : i32 to vector<2560x128xi32>
    %and3A_90 = arith.andi %add3A_87, %and3A_89 : vector<2560x128xi32>
    %bitcast_convert_type3A_91 = tpu.bitcast %add3A_77 : vector<2560x128xf32> -> vector<2560x128xi32>
    %add3A_92 = arith.constant 32767 : i32
    %add3A_93 = vector.broadcast %add3A_92 : i32 to vector<2560x128xi32>
    %add3A_94 = arith.addi %bitcast_convert_type3A_91, %add3A_93 : vector<2560x128xi32>
    %shift_right_arithmetic3A_95 = arith.constant 16 : i32
    %shift_right_arithmetic3A_96 = vector.broadcast %shift_right_arithmetic3A_95 : i32 to vector<2560x128xi32>
    %shift_right_arithmetic3A_97 = arith.shrsi %bitcast_convert_type3A_91, %shift_right_arithmetic3A_96 : vector<2560x128xi32>
    %and3A_98 = arith.constant 1 : i32
    %and3A_99 = vector.broadcast %and3A_98 : i32 to vector<2560x128xi32>
    %and3A_100 = arith.andi %shift_right_arithmetic3A_97, %and3A_99 : vector<2560x128xi32>
    %add3A_101 = arith.addi %add3A_94, %and3A_100 : vector<2560x128xi32>
    %and3A_102 = arith.constant -65536 : i32
    %and3A_103 = vector.broadcast %and3A_102 : i32 to vector<2560x128xi32>
    %and3A_104 = arith.andi %add3A_101, %and3A_103 : vector<2560x128xi32>
    %shift_right_arithmetic3A_105 = arith.constant 16 : i32
    %shift_right_arithmetic3A_106 = vector.broadcast %shift_right_arithmetic3A_105 : i32 to vector<2560x128xi32>
    %shift_right_arithmetic3A_107 = arith.shrsi %and3A_104, %shift_right_arithmetic3A_106 : vector<2560x128xi32>
    %and3A_108 = arith.constant 65535 : i32
    %and3A_109 = vector.broadcast %and3A_108 : i32 to vector<2560x128xi32>
    %and3A_110 = arith.andi %shift_right_arithmetic3A_107, %and3A_109 : vector<2560x128xi32>
    %or3A = arith.ori %and3A_90, %and3A_110 : vector<2560x128xi32>
    %swap3A = arith.constant 0 : index
    %swap3A_111 = arith.constant 0 : index
    %swap3A_112 = vector.load %arg8[%swap3A, %swap3A_111] : memref<2560x128xi32, #tpu.memory_space<vmem>>, vector<2560x128xi32>
    tpu.vector_store %arg8[%swap3A, %swap3A_111], %or3A {strides = array<i32>} : memref<2560x128xi32, #tpu.memory_space<vmem>>, vector<2560x128xi32>,
    %reduce_sum3A = arith.constant dense<0.000000e+00> : vector<128xf32>
    %reduce_sum3A_113 = vector.multi_reduction <add>, %add3A_69, %reduce_sum3A [0] : vector<2560x128xf32> to vector<128xf32>
    %broadcast_in_dim3A = vector.shape_cast %reduce_sum3A_113 : vector<128xf32> to vector<1x128xf32>
    %mul3A_114 = arith.mulf %add3A_69, %add3A_69 : vector<2560x128xf32>
    %reduce_sum3A_115 = arith.constant dense<0.000000e+00> : vector<128xf32>
    %reduce_sum3A_116 = vector.multi_reduction <add>, %mul3A_114, %reduce_sum3A_115 [0] : vector<2560x128xf32> to vector<128xf32>
    %broadcast_in_dim3A_117 = vector.shape_cast %reduce_sum3A_116 : vector<128xf32> to vector<1x128xf32>
    %concatenate3A = tpu.concatenate %broadcast_in_dim3A, %broadcast_in_dim3A_117 in 0 : vector<1x128xf32>, vector<1x128xf32> -> vector<2x128xf32>
    %reduce_sum3A_118 = arith.constant dense<0.000000e+00> : vector<128xf32>
    %reduce_sum3A_119 = vector.multi_reduction <add>, %add3A_77, %reduce_sum3A_118 [0] : vector<2560x128xf32> to vector<128xf32>
    %broadcast_in_dim3A_120 = vector.shape_cast %reduce_sum3A_119 : vector<128xf32> to vector<1x128xf32>
    %mul3A_121 = arith.mulf %add3A_77, %add3A_77 : vector<2560x128xf32>
    %reduce_sum3A_122 = arith.constant dense<0.000000e+00> : vector<128xf32>
    %reduce_sum3A_123 = vector.multi_reduction <add>, %mul3A_121, %reduce_sum3A_122 [0] : vector<2560x128xf32> to vector<128xf32>
    %broadcast_in_dim3A_124 = vector.shape_cast %reduce_sum3A_123 : vector<128xf32> to vector<1x128xf32>
    %concatenate3A_125 = tpu.concatenate %broadcast_in_dim3A_120, %broadcast_in_dim3A_124 in 0 : vector<1x128xf32>, vector<1x128xf32> -> vector<2x128xf32>
    %eq3A = arith.constant 0 : i32
    %eq3A_126 = arith.cmpi eq, %arg0, %eq3A : i32
    %convert_element_type3A_127 = arith.extui %eq3A_126 : i1 to i32
    %cond3A = arith.constant 0 : i32
    %cond3A_128 = arith.cmpi ne, %convert_element_type3A_127, %cond3A : i32
    scf.if %cond3A_128 {
      %broadcast_in_dim3A_143 = arith.constant 0.000000e+00 : f32
      %broadcast_in_dim3A_144 = vector.broadcast %broadcast_in_dim3A_143 : f32 to vector<2x128xf32>
      %swap3A_145 = arith.constant 0 : index
      %swap3A_146 = arith.constant 0 : index
      %swap3A_147 = vector.load %arg9[%swap3A_145, %swap3A_146] : memref<2x128xf32, #tpu.memory_space<vmem>>, vector<2x128xf32>
      tpu.vector_store %arg9[%swap3A_145, %swap3A_146], %broadcast_in_dim3A_144 {strides = array<i32>} : memref<2x128xf32, #tpu.memory_space<vmem>>, vector<2x128xf32>,
      %broadcast_in_dim3A_148 = arith.constant 0.000000e+00 : f32
      %broadcast_in_dim3A_149 = vector.broadcast %broadcast_in_dim3A_148 : f32 to vector<2x128xf32>
      %swap3A_150 = arith.constant 0 : index
      %swap3A_151 = arith.constant 0 : index
      %swap3A_152 = vector.load %arg10[%swap3A_150, %swap3A_151] : memref<2x128xf32, #tpu.memory_space<vmem>>, vector<2x128xf32>
      tpu.vector_store %arg10[%swap3A_150, %swap3A_151], %broadcast_in_dim3A_149 {strides = array<i32>} : memref<2x128xf32, #tpu.memory_space<vmem>>, vector<2x128xf32>,
    } else {
    }
    %get3A_129 = arith.constant 0 : index
    %get3A_130 = arith.constant 0 : index
    %get3A_131 = vector.load %arg9[%get3A_129, %get3A_130] : memref<2x128xf32, #tpu.memory_space<vmem>>, vector<2x128xf32>
    %add3A_132 = arith.addf %get3A_131, %concatenate3A : vector<2x128xf32>
    %swap3A_133 = arith.constant 0 : index
    %swap3A_134 = arith.constant 0 : index
    %swap3A_135 = vector.load %arg9[%swap3A_133, %swap3A_134] : memref<2x128xf32, #tpu.memory_space<vmem>>, vector<2x128xf32>
    tpu.vector_store %arg9[%swap3A_133, %swap3A_134], %add3A_132 {strides = array<i32>} : memref<2x128xf32, #tpu.memory_space<vmem>>, vector<2x128xf32>,
    %get3A_136 = arith.constant 0 : index
    %get3A_137 = arith.constant 0 : index
    %get3A_138 = vector.load %arg10[%get3A_136, %get3A_137] : memref<2x128xf32, #tpu.memory_space<vmem>>, vector<2x128xf32>
    %add3A_139 = arith.addf %get3A_138, %concatenate3A_125 : vector<2x128xf32>
    %swap3A_140 = arith.constant 0 : index
    %swap3A_141 = arith.constant 0 : index
    %swap3A_142 = vector.load %arg10[%swap3A_140, %swap3A_141] : memref<2x128xf32, #tpu.memory_space<vmem>>, vector<2x128xf32>
    tpu.vector_store %arg10[%swap3A_140, %swap3A_141], %add3A_139 {strides = array<i32>} : memref<2x128xf32, #tpu.memory_space<vmem>>, vector<2x128xf32>,
    return
  }
  func.func @transform_0(%arg0: i32) -> (i32, i32) {
    %c0_i32 = arith.constant 0 : i32
    %c0_i32_0 = arith.constant 0 : i32
    return %arg0, %c0_i32 : i32, i32
  }
  func.func @transform_1(%arg0: i32) -> (i32, i32) {
    %c0_i32 = arith.constant 0 : i32
    %c0_i32_0 = arith.constant 0 : i32
    %c0_i32_1 = arith.constant 0 : i32
    return %c0_i32, %c0_i32_0 : i32, i32
  }
  func.func @transform_2(%arg0: i32) -> (i32, i32) {
    %c0_i32 = arith.constant 0 : i32
    %c0_i32_0 = arith.constant 0 : i32
    %c0_i32_1 = arith.constant 0 : i32
    return %c0_i32, %c0_i32_0 : i32, i32
  }
  func.func @transform_3(%arg0: i32) -> (i32, i32) {
    %c0_i32 = arith.constant 0 : i32
    %c0_i32_0 = arith.constant 0 : i32
    %c0_i32_1 = arith.constant 0 : i32
    return %c0_i32, %c0_i32_0 : i32, i32
  }
  func.func @transform_4(%arg0: i32) -> (i32, i32) {
    %c0_i32 = arith.constant 0 : i32
    %c0_i32_0 = arith.constant 0 : i32
    %c0_i32_1 = arith.constant 0 : i32
    return %c0_i32, %c0_i32_0 : i32, i32
  }
  func.func @transform_5(%arg0: i32) -> (i32, i32) {
    %c0_i32 = arith.constant 0 : i32
    %c0_i32_0 = arith.constant 0 : i32
    %c0_i32_1 = arith.constant 0 : i32
    return %c0_i32, %c0_i32_0 : i32, i32
  }
  func.func @transform_6(%arg0: i32) -> (i32, i32) {
    %c0_i32 = arith.constant 0 : i32
    %c0_i32_0 = arith.constant 0 : i32
    %c0_i32_1 = arith.constant 0 : i32
    return %c0_i32, %c0_i32_0 : i32, i32
  }
  func.func @transform_7(%arg0: i32) -> (i32, i32) {
    %c0_i32 = arith.constant 0 : i32
    %c0_i32_0 = arith.constant 0 : i32
    return %arg0, %c0_i32 : i32, i32
  }
  func.func @transform_8(%arg0: i32) -> (i32, i32) {
    %c0_i32 = arith.constant 0 : i32
    %c0_i32_0 = arith.constant 0 : i32
    %c0_i32_1 = arith.constant 0 : i32
    return %c0_i32, %c0_i32_0 : i32, i32
  }
  func.func @transform_9(%arg0: i32) -> (i32, i32) {
    %c0_i32 = arith.constant 0 : i32
    %c0_i32_0 = arith.constant 0 : i32
    %c0_i32_1 = arith.constant 0 : i32
    return %c0_i32, %c0_i32_0 : i32, i32
  }
}

module attributes {stable_mosaic.version = 14 : i64} {
  func.func @_k3b_body(%arg0: i32, %arg1: memref<2560x128xi32, #tpu.memory_space<vmem>>, %arg2: memref<2x128xf32, #tpu.memory_space<vmem>>, %arg3: memref<2x128xf32, #tpu.memory_space<vmem>>, %arg4: memref<1x128xf32, #tpu.memory_space<vmem>>, %arg5: memref<1x128xf32, #tpu.memory_space<vmem>>, %arg6: memref<2560x128xf32, #tpu.memory_space<vmem>>, %arg7: memref<2560x128xf32, #tpu.memory_space<vmem>>) attributes {dimension_semantics = [#tpu.dimension_semantics<arbitrary>], iteration_bounds = array<i64: 125>, scalar_prefetch = 0 : i64, scratch_operands = 0 : i64, tpu.core_type = #tpu.core_type<tc>, window_params = [{transform_indices = @transform_0, window_bounds = array<i64: 2560, 128>}, {pipeline_mode = #tpu.pipeline_mode<synchronous>, transform_indices = @transform_1, window_bounds = array<i64: 2, 128>}, {pipeline_mode = #tpu.pipeline_mode<synchronous>, transform_indices = @transform_2, window_bounds = array<i64: 2, 128>}, {pipeline_mode = #tpu.pipeline_mode<synchronous>, transform_indices = @transform_3, window_bounds = array<i64: 1, 128>}, {pipeline_mode = #tpu.pipeline_mode<synchronous>, transform_indices = @transform_4, window_bounds = array<i64: 1, 128>}, {transform_indices = @transform_5, window_bounds = array<i64: 2560, 128>}, {transform_indices = @transform_6, window_bounds = array<i64: 2560, 128>}]} {
    %get3A = arith.constant 0 : index
    %get3A_0 = arith.constant 0 : index
    %get3A_1 = vector.load %arg4[%get3A, %get3A_0] : memref<1x128xf32, #tpu.memory_space<vmem>>, vector<1x128xf32>
    %get3A_2 = arith.constant 0 : index
    %get3A_3 = arith.constant 0 : index
    %get3A_4 = vector.load %arg5[%get3A_2, %get3A_3] : memref<1x128xf32, #tpu.memory_space<vmem>>, vector<1x128xf32>
    %get3A_5 = arith.constant 0 : index
    %get3A_6 = arith.constant 0 : index
    %get3A_7 = vector.load %arg2[%get3A_5, %get3A_6] : memref<2x128xf32, #tpu.memory_space<vmem>>, vector<2x128xf32>
    %slice3A = vector.extract_strided_slice %get3A_7 {offsets = [0, 0], sizes = [1, 128], strides = [1, 1]} : vector<2x128xf32> to vector<1x128xf32>
    %div3A = arith.constant 3.200000e+05 : f32
    %div3A_8 = vector.broadcast %div3A : f32 to vector<1x128xf32>
    %div3A_9 = arith.divf %slice3A, %div3A_8 : vector<1x128xf32>
    %slice3A_10 = vector.extract_strided_slice %get3A_7 {offsets = [1, 0], sizes = [1, 128], strides = [1, 1]} : vector<2x128xf32> to vector<1x128xf32>
    %div3A_11 = arith.constant 3.200000e+05 : f32
    %div3A_12 = vector.broadcast %div3A_11 : f32 to vector<1x128xf32>
    %div3A_13 = arith.divf %slice3A_10, %div3A_12 : vector<1x128xf32>
    %mul3A = arith.mulf %div3A_9, %div3A_9 : vector<1x128xf32>
    %sub3A = arith.subf %div3A_13, %mul3A : vector<1x128xf32>
    %add3A = arith.constant 9.99999974E-6 : f32
    %add3A_14 = vector.broadcast %add3A : f32 to vector<1x128xf32>
    %add3A_15 = arith.addf %sub3A, %add3A_14 : vector<1x128xf32>
    %rsqrt3A = math.rsqrt %add3A_15 : vector<1x128xf32>
    %mul3A_16 = arith.mulf %get3A_1, %rsqrt3A : vector<1x128xf32>
    %mul3A_17 = arith.mulf %div3A_9, %mul3A_16 : vector<1x128xf32>
    %sub3A_18 = arith.subf %get3A_4, %mul3A_17 : vector<1x128xf32>
    %get3A_19 = arith.constant 0 : index
    %get3A_20 = arith.constant 0 : index
    %get3A_21 = vector.load %arg3[%get3A_19, %get3A_20] : memref<2x128xf32, #tpu.memory_space<vmem>>, vector<2x128xf32>
    %slice3A_22 = vector.extract_strided_slice %get3A_21 {offsets = [0, 0], sizes = [1, 128], strides = [1, 1]} : vector<2x128xf32> to vector<1x128xf32>
    %div3A_23 = arith.constant 3.200000e+05 : f32
    %div3A_24 = vector.broadcast %div3A_23 : f32 to vector<1x128xf32>
    %div3A_25 = arith.divf %slice3A_22, %div3A_24 : vector<1x128xf32>
    %slice3A_26 = vector.extract_strided_slice %get3A_21 {offsets = [1, 0], sizes = [1, 128], strides = [1, 1]} : vector<2x128xf32> to vector<1x128xf32>
    %div3A_27 = arith.constant 3.200000e+05 : f32
    %div3A_28 = vector.broadcast %div3A_27 : f32 to vector<1x128xf32>
    %div3A_29 = arith.divf %slice3A_26, %div3A_28 : vector<1x128xf32>
    %mul3A_30 = arith.mulf %div3A_25, %div3A_25 : vector<1x128xf32>
    %sub3A_31 = arith.subf %div3A_29, %mul3A_30 : vector<1x128xf32>
    %add3A_32 = arith.constant 9.99999974E-6 : f32
    %add3A_33 = vector.broadcast %add3A_32 : f32 to vector<1x128xf32>
    %add3A_34 = arith.addf %sub3A_31, %add3A_33 : vector<1x128xf32>
    %rsqrt3A_35 = math.rsqrt %add3A_34 : vector<1x128xf32>
    %mul3A_36 = arith.mulf %get3A_1, %rsqrt3A_35 : vector<1x128xf32>
    %mul3A_37 = arith.mulf %div3A_25, %mul3A_36 : vector<1x128xf32>
    %sub3A_38 = arith.subf %get3A_4, %mul3A_37 : vector<1x128xf32>
    %get3A_39 = arith.constant 0 : index
    %get3A_40 = arith.constant 0 : index
    %get3A_41 = vector.load %arg1[%get3A_39, %get3A_40] : memref<2560x128xi32, #tpu.memory_space<vmem>>, vector<2560x128xi32>
    %and3A = arith.constant -65536 : i32
    %and3A_42 = vector.broadcast %and3A : i32 to vector<2560x128xi32>
    %and3A_43 = arith.andi %get3A_41, %and3A_42 : vector<2560x128xi32>
    %bitcast_convert_type3A = tpu.bitcast %and3A_43 : vector<2560x128xi32> -> vector<2560x128xf32>
    %mul3A_44 = vector.broadcast %mul3A_16 : vector<1x128xf32> to vector<2560x128xf32>
    %mul3A_45 = arith.mulf %bitcast_convert_type3A, %mul3A_44 : vector<2560x128xf32>
    %add3A_46 = vector.broadcast %sub3A_18 : vector<1x128xf32> to vector<2560x128xf32>
    %add3A_47 = arith.addf %mul3A_45, %add3A_46 : vector<2560x128xf32>
    %max3A = arith.constant 0.000000e+00 : f32
    %max3A_48 = vector.broadcast %max3A : f32 to vector<2560x128xf32>
    %max3A_49 = arith.maximumf %add3A_47, %max3A_48 : vector<2560x128xf32>
    %swap3A = arith.constant 0 : index
    %swap3A_50 = arith.constant 0 : index
    %swap3A_51 = vector.load %arg6[%swap3A, %swap3A_50] : memref<2560x128xf32, #tpu.memory_space<vmem>>, vector<2560x128xf32>
    tpu.vector_store %arg6[%swap3A, %swap3A_50], %max3A_49 {strides = array<i32>} : memref<2560x128xf32, #tpu.memory_space<vmem>>, vector<2560x128xf32>,
    %shift_left3A = arith.constant 16 : i32
    %shift_left3A_52 = vector.broadcast %shift_left3A : i32 to vector<2560x128xi32>
    %shift_left3A_53 = arith.shli %get3A_41, %shift_left3A_52 : vector<2560x128xi32>
    %bitcast_convert_type3A_54 = tpu.bitcast %shift_left3A_53 : vector<2560x128xi32> -> vector<2560x128xf32>
    %mul3A_55 = vector.broadcast %mul3A_36 : vector<1x128xf32> to vector<2560x128xf32>
    %mul3A_56 = arith.mulf %bitcast_convert_type3A_54, %mul3A_55 : vector<2560x128xf32>
    %add3A_57 = vector.broadcast %sub3A_38 : vector<1x128xf32> to vector<2560x128xf32>
    %add3A_58 = arith.addf %mul3A_56, %add3A_57 : vector<2560x128xf32>
    %max3A_59 = arith.constant 0.000000e+00 : f32
    %max3A_60 = vector.broadcast %max3A_59 : f32 to vector<2560x128xf32>
    %max3A_61 = arith.maximumf %add3A_58, %max3A_60 : vector<2560x128xf32>
    %swap3A_62 = arith.constant 0 : index
    %swap3A_63 = arith.constant 0 : index
    %swap3A_64 = vector.load %arg7[%swap3A_62, %swap3A_63] : memref<2560x128xf32, #tpu.memory_space<vmem>>, vector<2560x128xf32>
    tpu.vector_store %arg7[%swap3A_62, %swap3A_63], %max3A_61 {strides = array<i32>} : memref<2560x128xf32, #tpu.memory_space<vmem>>, vector<2560x128xf32>,
    return
  }
  func.func @transform_0(%arg0: i32) -> (i32, i32) {
    %c0_i32 = arith.constant 0 : i32
    %c0_i32_0 = arith.constant 0 : i32
    return %arg0, %c0_i32 : i32, i32
  }
  func.func @transform_1(%arg0: i32) -> (i32, i32) {
    %c0_i32 = arith.constant 0 : i32
    %c0_i32_0 = arith.constant 0 : i32
    %c0_i32_1 = arith.constant 0 : i32
    return %c0_i32, %c0_i32_0 : i32, i32
  }
  func.func @transform_2(%arg0: i32) -> (i32, i32) {
    %c0_i32 = arith.constant 0 : i32
    %c0_i32_0 = arith.constant 0 : i32
    %c0_i32_1 = arith.constant 0 : i32
    return %c0_i32, %c0_i32_0 : i32, i32
  }
  func.func @transform_3(%arg0: i32) -> (i32, i32) {
    %c0_i32 = arith.constant 0 : i32
    %c0_i32_0 = arith.constant 0 : i32
    %c0_i32_1 = arith.constant 0 : i32
    return %c0_i32, %c0_i32_0 : i32, i32
  }
  func.func @transform_4(%arg0: i32) -> (i32, i32) {
    %c0_i32 = arith.constant 0 : i32
    %c0_i32_0 = arith.constant 0 : i32
    %c0_i32_1 = arith.constant 0 : i32
    return %c0_i32, %c0_i32_0 : i32, i32
  }
  func.func @transform_5(%arg0: i32) -> (i32, i32) {
    %c0_i32 = arith.constant 0 : i32
    %c0_i32_0 = arith.constant 0 : i32
    return %arg0, %c0_i32 : i32, i32
  }
  func.func @transform_6(%arg0: i32) -> (i32, i32) {
    %c0_i32 = arith.constant 0 : i32
    %c0_i32_0 = arith.constant 0 : i32
    return %arg0, %c0_i32 : i32, i32
  }
}

module attributes {stable_mosaic.version = 14 : i64} {
  func.func @_k5_body(%arg0: memref<10000x128xf32, #tpu.memory_space<vmem>>, %arg1: memref<10000x128xf32, #tpu.memory_space<vmem>>, %arg2: memref<10000x128xf32, #tpu.memory_space<vmem>>, %arg3: memref<384x128xf32, #tpu.memory_space<vmem>>, %arg4: memref<1x128xf32, #tpu.memory_space<vmem>>, %arg5: memref<1x128xf32, #tpu.memory_space<vmem>>, %arg6: memref<1x128xf32, #tpu.memory_space<vmem>>, %arg7: memref<128x128xf32, #tpu.memory_space<vmem>>, %arg8: memref<1x128xf32, #tpu.memory_space<vmem>>, %arg9: memref<1x128xf32, #tpu.memory_space<vmem>>, %arg10: memref<1x128xf32, #tpu.memory_space<vmem>>, %arg11: memref<10000x128xf32, #tpu.memory_space<vmem>>) attributes {dimension_semantics = [], scalar_prefetch = 0 : i64, scratch_operands = 0 : i64, tpu.core_type = #tpu.core_type<tc>} {
    %get3A = arith.constant 0 : index
    %get3A_0 = arith.constant 0 : index
    %get3A_1 = vector.load %arg0[%get3A, %get3A_0] : memref<10000x128xf32, #tpu.memory_space<vmem>>, vector<10000x128xf32>
    %get3A_2 = arith.constant 0 : index
    %get3A_3 = arith.constant 0 : index
    %get3A_4 = vector.load %arg3[%get3A_2, %get3A_3] : memref<384x128xf32, #tpu.memory_space<vmem>>, vector<384x128xf32>
    %slice3A = vector.extract_strided_slice %get3A_4 {offsets = [0, 0], sizes = [128, 128], strides = [1, 1]} : vector<384x128xf32> to vector<128x128xf32>
    %dot_general3A = arith.constant dense<0.000000e+00> : vector<10000x128xf32>
    %dot_general3A_5 = tpu.matmul %get3A_1, %slice3A, %dot_general3A {dimension_numbers = #tpu.dot_dimension_numbers<[1], [0], [0], [1], [0, 0, 1, 1], [], []>, transpose_lhs_hint = false} : vector<10000x128xf32>, vector<128x128xf32>, vector<10000x128xf32> -> vector<10000x128xf32>
    %get3A_6 = arith.constant 0 : index
    %get3A_7 = arith.constant 0 : index
    %get3A_8 = vector.load %arg1[%get3A_6, %get3A_7] : memref<10000x128xf32, #tpu.memory_space<vmem>>, vector<10000x128xf32>
    %slice3A_9 = vector.extract_strided_slice %get3A_4 {offsets = [128, 0], sizes = [128, 128], strides = [1, 1]} : vector<384x128xf32> to vector<128x128xf32>
    %mul3A = arith.constant 5.000000e-01 : f32
    %mul3A_10 = vector.broadcast %mul3A : f32 to vector<128x128xf32>
    %mul3A_11 = arith.mulf %mul3A_10, %slice3A_9 : vector<128x128xf32>
    %dot_general3A_12 = arith.constant dense<0.000000e+00> : vector<10000x128xf32>
    %dot_general3A_13 = tpu.matmul %get3A_8, %mul3A_11, %dot_general3A_12 {dimension_numbers = #tpu.dot_dimension_numbers<[1], [0], [0], [1], [0, 0, 1, 1], [], []>, transpose_lhs_hint = false} : vector<10000x128xf32>, vector<128x128xf32>, vector<10000x128xf32> -> vector<10000x128xf32>
    %add3A = arith.addf %dot_general3A_5, %dot_general3A_13 : vector<10000x128xf32>
    %get3A_14 = arith.constant 0 : index
    %get3A_15 = arith.constant 0 : index
    %get3A_16 = vector.load %arg2[%get3A_14, %get3A_15] : memref<10000x128xf32, #tpu.memory_space<vmem>>, vector<10000x128xf32>
    %slice3A_17 = vector.extract_strided_slice %get3A_4 {offsets = [256, 0], sizes = [128, 128], strides = [1, 1]} : vector<384x128xf32> to vector<128x128xf32>
    %mul3A_18 = arith.constant 5.000000e-01 : f32
    %mul3A_19 = vector.broadcast %mul3A_18 : f32 to vector<128x128xf32>
    %mul3A_20 = arith.mulf %mul3A_19, %slice3A_17 : vector<128x128xf32>
    %dot_general3A_21 = arith.constant dense<0.000000e+00> : vector<10000x128xf32>
    %dot_general3A_22 = tpu.matmul %get3A_16, %mul3A_20, %dot_general3A_21 {dimension_numbers = #tpu.dot_dimension_numbers<[1], [0], [0], [1], [0, 0, 1, 1], [], []>, transpose_lhs_hint = false} : vector<10000x128xf32>, vector<128x128xf32>, vector<10000x128xf32> -> vector<10000x128xf32>
    %add3A_23 = arith.addf %add3A, %dot_general3A_22 : vector<10000x128xf32>
    %get3A_24 = arith.constant 0 : index
    %get3A_25 = arith.constant 0 : index
    %get3A_26 = vector.load %arg4[%get3A_24, %get3A_25] : memref<1x128xf32, #tpu.memory_space<vmem>>, vector<1x128xf32>
    %add3A_27 = vector.broadcast %get3A_26 : vector<1x128xf32> to vector<10000x128xf32>
    %add3A_28 = arith.addf %add3A_23, %add3A_27 : vector<10000x128xf32>
    %reduce_sum3A = arith.constant dense<0.000000e+00> : vector<128xf32>
    %reduce_sum3A_29 = vector.multi_reduction <add>, %add3A_28, %reduce_sum3A [0] : vector<10000x128xf32> to vector<128xf32>
    %broadcast_in_dim3A = vector.shape_cast %reduce_sum3A_29 : vector<128xf32> to vector<1x128xf32>
    %div3A = arith.constant 1.000000e+04 : f32
    %div3A_30 = vector.broadcast %div3A : f32 to vector<1x128xf32>
    %div3A_31 = arith.divf %broadcast_in_dim3A, %div3A_30 : vector<1x128xf32>
    %sub3A = vector.broadcast %div3A_31 : vector<1x128xf32> to vector<10000x128xf32>
    %sub3A_32 = arith.subf %add3A_28, %sub3A : vector<10000x128xf32>
    %sub3A_33 = vector.broadcast %div3A_31 : vector<1x128xf32> to vector<10000x128xf32>
    %sub3A_34 = arith.subf %add3A_28, %sub3A_33 : vector<10000x128xf32>
    %mul3A_35 = arith.mulf %sub3A_32, %sub3A_34 : vector<10000x128xf32>
    %reduce_sum3A_36 = arith.constant dense<0.000000e+00> : vector<128xf32>
    %reduce_sum3A_37 = vector.multi_reduction <add>, %mul3A_35, %reduce_sum3A_36 [0] : vector<10000x128xf32> to vector<128xf32>
    %broadcast_in_dim3A_38 = vector.shape_cast %reduce_sum3A_37 : vector<128xf32> to vector<1x128xf32>
    %div3A_39 = arith.constant 1.000000e+04 : f32
    %div3A_40 = vector.broadcast %div3A_39 : f32 to vector<1x128xf32>
    %div3A_41 = arith.divf %broadcast_in_dim3A_38, %div3A_40 : vector<1x128xf32>
    %get3A_42 = arith.constant 0 : index
    %get3A_43 = arith.constant 0 : index
    %get3A_44 = vector.load %arg5[%get3A_42, %get3A_43] : memref<1x128xf32, #tpu.memory_space<vmem>>, vector<1x128xf32>
    %sub3A_45 = vector.broadcast %div3A_31 : vector<1x128xf32> to vector<10000x128xf32>
    %sub3A_46 = arith.subf %add3A_28, %sub3A_45 : vector<10000x128xf32>
    %mul3A_47 = vector.broadcast %get3A_44 : vector<1x128xf32> to vector<10000x128xf32>
    %mul3A_48 = arith.mulf %mul3A_47, %sub3A_46 : vector<10000x128xf32>
    %add3A_49 = arith.constant 9.99999974E-6 : f32
    %add3A_50 = vector.broadcast %add3A_49 : f32 to vector<1x128xf32>
    %add3A_51 = arith.addf %div3A_41, %add3A_50 : vector<1x128xf32>
    %rsqrt3A = math.rsqrt %add3A_51 : vector<1x128xf32>
    %mul3A_52 = vector.broadcast %rsqrt3A : vector<1x128xf32> to vector<10000x128xf32>
    %mul3A_53 = arith.mulf %mul3A_48, %mul3A_52 : vector<10000x128xf32>
    %get3A_54 = arith.constant 0 : index
    %get3A_55 = arith.constant 0 : index
    %get3A_56 = vector.load %arg6[%get3A_54, %get3A_55] : memref<1x128xf32, #tpu.memory_space<vmem>>, vector<1x128xf32>
    %add3A_57 = vector.broadcast %get3A_56 : vector<1x128xf32> to vector<10000x128xf32>
    %add3A_58 = arith.addf %mul3A_53, %add3A_57 : vector<10000x128xf32>
    %max3A = arith.constant 0.000000e+00 : f32
    %max3A_59 = vector.broadcast %max3A : f32 to vector<10000x128xf32>
    %max3A_60 = arith.maximumf %add3A_58, %max3A_59 : vector<10000x128xf32>
    %get3A_61 = arith.constant 0 : index
    %get3A_62 = arith.constant 0 : index
    %get3A_63 = vector.load %arg7[%get3A_61, %get3A_62] : memref<128x128xf32, #tpu.memory_space<vmem>>, vector<128x128xf32>
    %dot_general3A_64 = arith.constant dense<0.000000e+00> : vector<10000x128xf32>
    %dot_general3A_65 = tpu.matmul %max3A_60, %get3A_63, %dot_general3A_64 {dimension_numbers = #tpu.dot_dimension_numbers<[1], [0], [0], [1], [0, 0, 1, 1], [], []>, transpose_lhs_hint = false} : vector<10000x128xf32>, vector<128x128xf32>, vector<10000x128xf32> -> vector<10000x128xf32>
    %get3A_66 = arith.constant 0 : index
    %get3A_67 = arith.constant 0 : index
    %get3A_68 = vector.load %arg8[%get3A_66, %get3A_67] : memref<1x128xf32, #tpu.memory_space<vmem>>, vector<1x128xf32>
    %add3A_69 = vector.broadcast %get3A_68 : vector<1x128xf32> to vector<10000x128xf32>
    %add3A_70 = arith.addf %dot_general3A_65, %add3A_69 : vector<10000x128xf32>
    %reduce_sum3A_71 = arith.constant dense<0.000000e+00> : vector<128xf32>
    %reduce_sum3A_72 = vector.multi_reduction <add>, %add3A_70, %reduce_sum3A_71 [0] : vector<10000x128xf32> to vector<128xf32>
    %broadcast_in_dim3A_73 = vector.shape_cast %reduce_sum3A_72 : vector<128xf32> to vector<1x128xf32>
    %div3A_74 = arith.constant 1.000000e+04 : f32
    %div3A_75 = vector.broadcast %div3A_74 : f32 to vector<1x128xf32>
    %div3A_76 = arith.divf %broadcast_in_dim3A_73, %div3A_75 : vector<1x128xf32>
    %sub3A_77 = vector.broadcast %div3A_76 : vector<1x128xf32> to vector<10000x128xf32>
    %sub3A_78 = arith.subf %add3A_70, %sub3A_77 : vector<10000x128xf32>
    %sub3A_79 = vector.broadcast %div3A_76 : vector<1x128xf32> to vector<10000x128xf32>
    %sub3A_80 = arith.subf %add3A_70, %sub3A_79 : vector<10000x128xf32>
    %mul3A_81 = arith.mulf %sub3A_78, %sub3A_80 : vector<10000x128xf32>
    %reduce_sum3A_82 = arith.constant dense<0.000000e+00> : vector<128xf32>
    %reduce_sum3A_83 = vector.multi_reduction <add>, %mul3A_81, %reduce_sum3A_82 [0] : vector<10000x128xf32> to vector<128xf32>
    %broadcast_in_dim3A_84 = vector.shape_cast %reduce_sum3A_83 : vector<128xf32> to vector<1x128xf32>
    %div3A_85 = arith.constant 1.000000e+04 : f32
    %div3A_86 = vector.broadcast %div3A_85 : f32 to vector<1x128xf32>
    %div3A_87 = arith.divf %broadcast_in_dim3A_84, %div3A_86 : vector<1x128xf32>
    %get3A_88 = arith.constant 0 : index
    %get3A_89 = arith.constant 0 : index
    %get3A_90 = vector.load %arg9[%get3A_88, %get3A_89] : memref<1x128xf32, #tpu.memory_space<vmem>>, vector<1x128xf32>
    %sub3A_91 = vector.broadcast %div3A_76 : vector<1x128xf32> to vector<10000x128xf32>
    %sub3A_92 = arith.subf %add3A_70, %sub3A_91 : vector<10000x128xf32>
    %mul3A_93 = vector.broadcast %get3A_90 : vector<1x128xf32> to vector<10000x128xf32>
    %mul3A_94 = arith.mulf %mul3A_93, %sub3A_92 : vector<10000x128xf32>
    %add3A_95 = arith.constant 9.99999974E-6 : f32
    %add3A_96 = vector.broadcast %add3A_95 : f32 to vector<1x128xf32>
    %add3A_97 = arith.addf %div3A_87, %add3A_96 : vector<1x128xf32>
    %rsqrt3A_98 = math.rsqrt %add3A_97 : vector<1x128xf32>
    %mul3A_99 = vector.broadcast %rsqrt3A_98 : vector<1x128xf32> to vector<10000x128xf32>
    %mul3A_100 = arith.mulf %mul3A_94, %mul3A_99 : vector<10000x128xf32>
    %get3A_101 = arith.constant 0 : index
    %get3A_102 = arith.constant 0 : index
    %get3A_103 = vector.load %arg10[%get3A_101, %get3A_102] : memref<1x128xf32, #tpu.memory_space<vmem>>, vector<1x128xf32>
    %add3A_104 = vector.broadcast %get3A_103 : vector<1x128xf32> to vector<10000x128xf32>
    %add3A_105 = arith.addf %mul3A_100, %add3A_104 : vector<10000x128xf32>
    %max3A_106 = arith.constant 0.000000e+00 : f32
    %max3A_107 = vector.broadcast %max3A_106 : f32 to vector<10000x128xf32>
    %max3A_108 = arith.maximumf %add3A_105, %max3A_107 : vector<10000x128xf32>
    %swap3A = arith.constant 0 : index
    %swap3A_109 = arith.constant 0 : index
    %swap3A_110 = vector.load %arg11[%swap3A, %swap3A_109] : memref<10000x128xf32, #tpu.memory_space<vmem>>, vector<10000x128xf32>
    tpu.vector_store %arg11[%swap3A, %swap3A_109], %max3A_108 {strides = array<i32>} : memref<10000x128xf32, #tpu.memory_space<vmem>>, vector<10000x128xf32>,
    return
  }
}

</mosaic_0001>

<sc_bundles>
// kernel: kernel.12.cloned.1.call-start
scs
__scs_entry_jumppad:
0x0: {  	(pc) =	sbr.rel $0x88, $3  }
0x1: {  	(tag) =	ssettag $0x0;
	lr =	simm.s32 $0x1  }
0x2: {  	[smem:$0x3F8E] =	sst lr;
	_ =	strace $0xD0000000  }
0x3: {  	_ = 	snop  }
0x4: {  	_ = 	snop  }
0x5: {  	_ = 	snop  }
0x6: {  	_ = 	snop  }
0x7: {  	_ = 	snop  }
__scs_overlays_trampoline_lowered:
0x8: {  	[smem:$0x3F9D] =	sst s0  }
0x9: {  	[smem:$0x3F9E] =	sst s1  }
0xa: {  	[smem:$0x3F9F] =	sst s2  }
0xb: {  	[smem:$0x3FA0] =	sst s3  }
0xc: {  	[smem:$0x3FA1] =	sst s4  }
0xd: {  	[smem:$0x3FA2] =	sst s5  }
0xe: {  	[smem:$0x3FA3] =	sst s6  }
0xf: {  	[smem:$0x3FA4] =	sst s7  }
0x10: {  	[smem:$0x3FA5] =	sst s8  }
0x11: {  	[smem:$0x3FA6] =	sst s9;
	s0 =	simm.s32 @!p0 $0x0  }
0x12: {  	s1 =	sld [smem:$0x3F8C];
	s0 =	simm.s32 @p0 $0x1  }
0x13: {  	[smem:$0x3FA7] =	sst s0;
	s0 =	simm.s32 @!p1 $0x0  }
0x14: {  	s2 =	sld [smem:$0x3F8B];
	s0 =	simm.s32 @p1 $0x1  }
0x15: {  	[smem:$0x3FA8] =	sst s0;
	s0 =	simm.s32 @!p2 $0x0  }
0x16: {  	s3 =	sld [smem:$0x3FDB];
	s0 =	simm.s32 @p2 $0x1  }
0x17: {  	s4 =	simm.s32 $0x1BF5;
	[smem:$0x3FAA] =	sst s0  }
0x18: {  	s0 =	sld [smem:$0x3F8D];
	_ =	swait.ge [sflag:s4], $0x0  }
0x19: {  	s7 =	sld [smem:$0x3F8E]  }
0x1a: {  	s8 =	sadd.s32 $0xFFFFE003, lr  }
0x1b: {  	s9 =	sadd.s32 $0xFFFFFEF7, lr;
	s5 =	simm.s32 $0xFFFFFFFF;
	p2 =	slt.u32 s8, $0xFFFFF086  }
0x1c: {  	p1 =	slt.u32 s9, $0xF7A;
	s5 =	simm.s32 @!p2 $0x0  }
0x1d: {  	s5 =	simm.s32 @p1 $0x1;
	p0 =	seq.s32 s7, s2  }
0x1e: {  	s7 =	smul.u32 @!p0 $0xF7A, s2;
	p2 =	seq.s32 @!p0 s5, $0x0  }
0x1f: {  	s9 =	smul.u32 $0xF7A, s1;
	s8 =	simm.s32 @!p0 $0x1BF5;
	p2 =	por !p2, p0  }
0x20: {  	[sflag:s8] =	ssyncset.s32 @!p0 $0xFFFFF086;
	s6 =	sadd.s32 @!p0 s3, s7;
	s7 =	simm.s32 @!p0 $0x108  }
0x21: {  	s3 =	sadd.s32 s3, s9;
	s6 =	sadd.s32 @!p0 $0x88, s6;
	s7 =	simm.s32 @p2 $0x1082  }
0x22: {  	[simem:s7], [sflag:s8] =	dma.local @!p0 [hbm:s6], $0xF7A  }
0x23: {  	s9 =	sor.u32 $0xD0000000, s2;
	s6 =	simm.s32 $0x108;
	_ =	swait.ge @!p0 [sflag:s8], $0x0  }
0x24: {  	s3 =	sadd.s32 $0x88, s3;
	s6 =	simm.s32 @!p1 $0x1082;
	[sflag:s4] =	ssyncset.s32 $0xFFFFF086  }
0x25: {  	[simem:s6], [sflag:s4] =	dma.local [hbm:s3], $0xF7A  }
0x26: {  	[smem:$0x3F8E] =	sst s1;
	(tag) =	ssettag s2;
	_ =	strace s9  }
0x27: {  	s1 =	sld [smem:$0x3F9E]  }
0x28: {  	s2 =	sld [smem:$0x3F9F]  }
0x29: {  	s4 =	sld [smem:$0x3FA1]  }
0x2a: {  	p0 =	seq.s32 s5, $0x0;
	s5 =	sld [smem:$0x3FA2]  }
0x2b: {  	s6 =	sld [smem:$0x3FA3]  }
0x2c: {  	s7 =	sld [smem:$0x3FA4]  }
0x2d: {  	s3 =	simm.s32 $0x108;
	s8 =	sld [smem:$0x3FA5]  }
0x2e: {  	s3 =	simm.s32 @!p0 $0x1082;
	s9 =	sld [smem:$0x3FA6]  }
0x2f: {  	lr =	sadd.s32 s0, s3;
	s0 =	sld [smem:$0x3F9D]  }
0x30: {  	s3 =	sld [smem:$0x3FA0]  }
0x31: {  	[smem:$0x3FA9] =	sst s10  }
0x32: {  	s10 =	sld [smem:$0x3FA7];
	_ =	sdelay $0x3  }
0x33: {  	p0 =	seq.s32 s10, $0x1;
	s10 =	sld [smem:$0x3FA9];
	_ =	sdelay $0x3  }
0x34: {  	[smem:$0x3FA9] =	sst s10  }
0x35: {  	s10 =	sld [smem:$0x3FA8];
	_ =	sdelay $0x3  }
0x36: {  	p1 =	seq.s32 s10, $0x1;
	s10 =	sld [smem:$0x3FA9];
	_ =	sdelay $0x3  }
0x37: {  	[smem:$0x3FA9] =	sst s10  }
0x38: {  	s10 =	sld [smem:$0x3FAA]  }
0x39: {  	_ = 	snop;
	(pc) =	sbr.ind lr, $3  }
0x3a: {  	_ = 	snop  }
0x3b: {  	_ = 	snop  }
0x3c: {  	p2 =	seq.s32 s10, $0x1;
	s10 =	sld [smem:$0x3FA9]  }
0x3d: {  	_ =	shalt  }
0x3e: {  	_ =	shalt  }
0x3f: {  	_ =	shalt  }
0x40: {  	_ =	shalt  }
0x41: {  	_ =	shalt  }
0x42: {  	_ =	shalt  }
0x43: {  	_ =	shalt  }
0x44: {  	_ =	shalt  }
0x45: {  	_ =	shalt  }
0x46: {  	_ =	shalt  }
0x47: {  	_ =	shalt  }
0x48: {  	_ =	shalt  }
0x49: {  	_ =	shalt  }
0x4a: {  	_ =	shalt  }
0x4b: {  	_ =	shalt  }
0x4c: {  	_ =	shalt  }
0x4d: {  	_ =	shalt  }
0x4e: {  	_ =	shalt  }
0x4f: {  	_ =	shalt  }
0x50: {  	_ =	shalt  }
0x51: {  	_ =	shalt  }
0x52: {  	_ =	shalt  }
0x53: {  	_ =	shalt  }
0x54: {  	_ =	shalt  }
0x55: {  	_ =	shalt  }
0x56: {  	_ =	shalt  }
0x57: {  	_ =	shalt  }
0x58: {  	_ =	shalt  }
0x59: {  	_ =	shalt  }
0x5a: {  	_ =	shalt  }
0x5b: {  	_ =	shalt  }
0x5c: {  	_ =	shalt  }
0x5d: {  	_ =	shalt  }
0x5e: {  	_ =	shalt  }
0x5f: {  	_ =	shalt  }
0x60: {  	_ =	shalt  }
0x61: {  	_ =	shalt  }
0x62: {  	_ =	shalt  }
0x63: {  	_ =	shalt  }
0x64: {  	_ =	shalt  }
0x65: {  	_ =	shalt  }
0x66: {  	_ =	shalt  }
0x67: {  	_ =	shalt  }
0x68: {  	_ =	shalt  }
0x69: {  	_ =	shalt  }
0x6a: {  	_ =	shalt  }
0x6b: {  	_ =	shalt  }
0x6c: {  	_ =	shalt  }
0x6d: {  	_ =	shalt  }
0x6e: {  	_ =	shalt  }
0x6f: {  	_ =	shalt  }
0x70: {  	_ =	shalt  }
0x71: {  	_ =	shalt  }
0x72: {  	_ =	shalt  }
0x73: {  	_ =	shalt  }
0x74: {  	_ =	shalt  }
0x75: {  	_ =	shalt  }
0x76: {  	_ =	shalt  }
0x77: {  	_ =	shalt  }
0x78: {  	_ =	shalt  }
0x79: {  	_ =	shalt  }
0x7a: {  	_ =	shalt  }
0x7b: {  	_ =	shalt  }
0x7c: {  	_ =	shalt  }
0x7d: {  	_ =	shalt  }
0x7e: {  	_ =	shalt  }
0x7f: {  	_ =	shalt  }
0x80: {  	_ =	shalt  }
0x81: {  	_ =	shalt  }
0x82: {  	_ =	shalt  }
0x83: {  	_ =	shalt  }
0x84: {  	_ =	shalt  }
0x85: {  	_ =	shalt  }
0x86: {  	_ =	shalt  }
0x87: {  	_ =	shalt  }
.Lfunc_end0:
.L_simem_size_0:
called_computation.1_lowered:
.L_overlay_start_0:
0x88: {  	s2 =	sld [smem:$0x3FD9]  }
0x89: {  	s3 =	sld [smem:$0x3FFE];
	_ =	sdelay $0x1  }
0x8a: {  	s1 =	srdreg.scid  }
0x8b: {  	s0 =	sand.u32 $0x1, s1  }
0x8c: {  	s17 =	sshll.u32 s0, $0xA;
	s2 =	sadd.s32 s3, s2  }
0x8d: {  	s2 =	sadd.s32 s2, s17  }
0x8e: {  	[smem:$0x3FB5] =	sst s2  }
0x8f: {  	_ = 	snop  }
0x90: {  	s2 =	sld [smem:$0x3FD0];
	(tm) =	ssettm $0x1  }
0x91: {  	s18 =	sld [smem:$0x3FFB];
	_ =	sdelay $0x3  }
0x92: {  	_ =	strace s18  }
0x93: {  	s3 =	sld [smem:$0x3FFC];
	_ =	sdelay $0x3  }
0x94: {  	_ =	strace s3  }
0x95: {  	s3 =	sld [smem:$0x3FFD];
	_ =	sdelay $0x3  }
0x96: {  	_ =	strace s3  }
0x97: {  	_ =	strace $0x8FFFFFFF  }
0x98: {  	s19 =	sld [smem:$0x3FDB];
	_ =	sdelay $0x1  }
0x99: {  	s4 =	simm.s32 $_scs_section_size  }
0x9a: {  	s5 =	simm.s32 $_size__tile_overlayer_lowered;
	s6 =	simm.s32 $_tile_overlayer_lowered  }
0x9b: {  	s22 =	simm.s32 $0x1BFF;
	s21 =	sshll.u32 s6, $0x1;
	s3 =	sadd.s32 s4, s19  }
0x9c: {  	s7 =	simm.s32 $0x0;
	s20 =	sshll.u32 s5, $0x1;
	s5 =	sadd.s32 s21, s3  }
0x9d: {  	[timem:s7], [sflag:s22] =	dma.local [hbm:s5], s20  }
0x9e: {  	_ =	swait.ge [sflag:s22], s20  }
0x9f: {  	s4 =	ssub.s32 $0x0, s20;
	[sflag:s22] =	ssyncset.done $0x0  }
0xa0: {  	[sflag:s22] =	ssyncadd.s32 s4;
	_ =	sdelay $0x1  }
0xa1: {  	s23 =	simm.s32 $0x1B8B  }
0xa2: {  	_ =	swait.ge [sflag:s23], $0x1  }
0xa3: {  	[sflag:s23] =	ssyncset.done $0x0  }
0xa4: {  	s25 =	simm.s32 $0x1B8E;
	s24 =	sld [smem:$0x3FFE];
	[sflag:s23] =	ssyncadd.s32 $0xFFFFFFFF  }
0xa5: {  	s26 =	simm.s32 $execute0_lowered;
	[smem:$0x3FD2] =	sst s25  }
0xa6: {  	s5 =	sshll.u32 s26, $0x1;
	_ =	strace $0x80000049;
	[dreg:$0x1] =	wrdreg $0xFFFFFFFF  }
0xa7: {  	s28 =	simm.s32 $_size_execute0_lowered;
	s3 =	sadd.s32 s3, s5;
	[dreg:$0x0] =	wrdreg $0x0  }
0xa8: {  	s5 =	sshll.u32 s28, $0x1;
	[dreg:$0x2] =	wrdreg s3  }
0xa9: {  	[dreg:$0x3] =	wrdreg s5  }
0xaa: {  	[dreg:$0x4] =	wrdreg $0xC0  }
0xab: {  	_ =	task [dreg:s7], $0x5FFFF  }
0xac: {  	[dreg:$0x1] =	wrdreg $0xFFFFFFFF  }
0xad: {  	[dreg:$0x0] =	wrdreg $0x60  }
0xae: {  	[dreg:$0x2] =	wrdreg s24  }
0xaf: {  	[dreg:$0x3] =	wrdreg s2  }
0xb0: {  	[dreg:$0x4] =	wrdreg $0xA2000  }
0xb1: {  	[dreg:$0x5] =	wrdreg $0x9  }
0xb2: {  	_ =	task.clear_ibuf [dreg:s7], $0x6FFFF;
	_ =	strace $0x90000049  }
0xb3: {  	s29 =	simm.s32 $0x9;
	_ =	strace $0x8000004B  }
0xb4: {  	_ =	swait.ge [sflag:s29], $0x1  }
0xb5: {  	[sflag:s29] =	ssyncadd.s32 $0xFFFFFFFF  }
0xb6: {  	_ =	strace $0x9000004B  }
0xb7: {  	_ =	sfence  }
0xb8: {  	s30 =	sld [smem:$0x0];
	_ =	sdelay $0x2  }
0xb9: {  	s31 =	sshll.u32 s1, $0xD;
	s1 =	sshrl.u32 s1, $0x2  }
0xba: {  	s3 =	sand.u32 $0x4000, s31;
	s1 =	sadd.s32 s1, s30  }
0xbb: {  	s0 =	sor.u32 s3, s0;
	s1 =	sshll.u32 s1, $0x11  }
0xbc: {  	s0 =	sor.u32 s1, s0  }
0xbd: {  	s0 =	sadd.s32 $0x8F2B, s0  }
0xbe: {  	[sflag:s0] =	ssyncadd.remote.s32 $0x1  }
0xbf: {  	_ =	sfence.sel $0xFFFF  }
0xc0: {  	[dreg:$0x0] =	wrdreg $0xFFFFFFFF;
	(pc) =	sbr.abs _section_cstart, $3  }
0xc1: {  	[dreg:$0x1] =	wrdreg $0xFFFFFFFF  }
0xc2: {  	_ =	task.clear_ibuf [dreg:s7], $0x2FFFF;
	_ =	strace $0x9FFFFFFF  }
0xc3: {  	(tm) =	ssettm $0x7FFFFFFF  }
tec
execute0_lowered:
.L_overlay_start_1:
0x0: {  	(tag) =	ssettag $0x1  }
0x1: {  	s13 =	rddreg [dreg:$0x0]  }
0x2: {  	s8 =	rddreg [dreg:$0x1]  }
0x3: {  	s1 =	rddreg [dreg:$0x2]  }
0x4: {  	s0 =	rddreg [dreg:$0x3];
	s2 =	simm.s32 $0x0;
	s3 =	srdreg.scid  }
0x5: {  	s24 =	stileid.u32;
	s17 =	simm.s32 $0x4F9C00;
	s19 =	simm.s32 $0x1  }
0x6: {  	s20 =	simm.s32 $0x100;
	s21 =	simm.s32 $0x5200;
	s6 =	smul.u32 $0x4E000, s24  }
0x7: {  	s22 =	simm.s32 $0xA0;
	s23 =	simm.s32 $0x2;
	s11 =	smul.u32 $0x2700, s24  }
0x8: {  	[smem:$0x7FF] =	sst s2;
	s14 =	sadd.s32 $0xDE00, s13;
	s9 =	smul.u32 $0x4E20, s24  }
0x9: {  	s25 =	sand.u32 $0x1, s3;
	s3 =	sadd.s32 $0x17C00, s13;
	s16 =	smul.u32 $0x4E200, s24  }
0xa: {  	s4 =	sadd.s32 $0x3EE00, s13;
	s31 =	sshll.u32 s24, $0x6;
	s18 =	smul.u32 $0x9C4, s24  }
0xb: {  	p2 =	seq.s32 s24, $0x0;
	_ =	strace $0x8000004A;
	s5 =	ssub.s32 $0x2, s25  }
0xc: {  	p0 =	seq.s32 s25, $0x0;
	p1 =	sne.s32 s25, $0x0;
	s7 =	sshrl.u32 s5, $0x1  }
0xd: {  	s30 =	sshrl.u32 s6, $0x2;
	s6 =	sor.u32 $0x1C03, s31;
	s9 =	sshrl.u32 s9, $0x3  }
0xe: {  	s10 =	sadd.s32 s4, s11;
	s17 =	simm.s32 @!p0 $0x9DBC00;
	p0 =	sne.s32 s24, $0x0  }
0xf: {  	s24 =	simm.s32 $0x0;
	s12 =	ssub.s32 s5, s7;
	s15 =	sadd.s32 s30, s1  }
.Ltmp0:
0x10: {  	s5 =	sadd.s32 s8, s11;
	s7 =	sadd.s32 $0x138000, s1;
	(pc) =	sbr.rel .LBB2_1-.Ltmp0, $4  }
0x11: {  	s8 =	sadd.s32 $0x27000, s8;
	s9 =	sadd.s32 s14, s9;
	s11 =	sadd.s32 s3, s11  }
0x12: {  	s13 =	sadd.s32 s17, s13;
	s14 =	sadd.s32 s18, s14;
	s18 =	simm.s32 $0x200  }
0x13: {  	s12 =	smax.u32 s12, $0x1;
	s13 =	sadd.s32 s13, s16;
	s14 =	sadd.s32 $0x28, s14  }
0x14: {  	s15 =	sshrl.u32 s15, $0x3;
	s16 =	simm.s32 $0x3;
	s17 =	sshrl.u32 @!p0 s7, $0x3  }
.LBB2_6:
0x15: {  	s25 =	sadd.s32 $0x27000, s25;
	s26 =	sshrl.u32 s7, $0x3  }
0x16: {  	[hbm:s25], [sflag:s6] =	dma.local [spmem:s26], $0x100  }
0x17: {  	_ =	swait.ge [sflag:s16], $0x100  }
0x18: {  	[sflag:s16] =	ssyncset.done $0x0  }
0x19: {  	[sflag:s16] =	ssyncadd.s32 $0xFFFFFF00  }
.LBB2_7:
0x1a: {  	s24 =	sadd.s32 $0x1, s24  }
0x1b: {  	p3 =	sne.s32 s24, s12  }
.Ltmp1:
0x1c: {  	_ = 	snop;
	(pc) =	sbr.rel @!p3 .LBB2_8-.Ltmp1, $1  }
0x1d: {  	_ =	sdelay $0x3  }
.LBB2_1:
0x1e: {  	[spmem:s15], [sflag:s6] =	dma.local [hbm:s5], $0x2700  }
0x1f: {  	_ =	swait.ge [sflag:s16], $0x2700  }
0x20: {  	[sflag:s16] =	ssyncset.done $0x0  }
0x21: {  	s25 =	simm.s32 @!p0 $0x3;
	[sflag:s16] =	ssyncadd.s32 $0xFFFFD900  }
0x22: {  	[spmem:s17], [sflag:s6] =	dma.local @!p0 [hbm:s8], $0x100  }
0x23: {  	_ =	swait.ge @!p0 [sflag:s25], $0x100  }
0x24: {  	[sflag:s25] =	ssyncset.done @!p0 $0x0  }
0x25: {  	[sflag:s25] =	ssyncadd.s32 @!p0 $0xFFFFFF00  }
0x26: {  	[bflag:$0x0] =	sbarrier.arrive $0xFFFF  }
0x27: {  	[tilespmem:s2], [sflag:$0x3] =	stream.linear.gather [hbm4b:s9+s2], $0xA0, $0x38;
	[tilespmem:$0x1DA80] =	vst v63  }
0x28: {  	_ =	swait.ge [sflag:s16], $0xA0  }
0x29: {  	[sflag:s16] =	ssyncset.done $0x0  }
0x2a: {  	[sflag:s16] =	ssyncadd.s32 $0xFFFFFF60  }
0x2b: {  	[tilespmem:s18], [sflag:$0x1] =	stream.linear.gather [hbm4b:s13+s2], $0x5000, $0x38;
	[tilespmem:$0x1DA80] =	vst v63  }
0x2c: {  	_ =	swait.ge [sflag:s19], $0x5000  }
0x2d: {  	[sflag:s19] =	ssyncset.done $0x0  }
0x2e: {  	s30 =	sadd.s32 $0xFFFFFFEC, s14;
	[sflag:s19] =	ssyncadd.s32 $0xFFFFB000  }
0x2f: {  	[tilespmem:s20], [sflag:$0x3] =	stream.linear.gather [hbm4b:s30+s2], $0xA0, $0x38;
	[tilespmem:$0x1DA80] =	vst v63  }
0x30: {  	_ =	swait.ge [sflag:s16], $0xA0  }
0x31: {  	s31 =	sadd.s32 $0x0, s13;
	[sflag:s16] =	ssyncset.done $0x0  }
0x32: {  	s26 =	sadd.s32 $0xA00, s31;
	[sflag:s16] =	ssyncadd.s32 $0xFFFFFF60  }
0x33: {  	[tilespmem:s21], [sflag:$0x2] =	stream.linear.gather [hbm4b:s26+s2], $0x5000, $0x38;
	[tilespmem:$0x1DA80] =	vst v63  }
0x34: {  	_ = 	snop  }
0x35: {  	[spmem:s1] =	stream.indirect.scatter.add.f32 [tilespmem:s18], [sflag:$0x3], $0x80, s2, s22, $0xb8;
	[tilespmem:$0x1DA80] =	vst v63  }
0x36: {  	_ =	swait.ge [sflag:s16], $0x5000  }
0x37: {  	[sflag:s16] =	ssyncset.done $0x0  }
0x38: {  	[sflag:s16] =	ssyncadd.s32 $0xFFFFB000  }
0x39: {  	_ =	swait.ge [sflag:s23], $0x5000  }
0x3a: {  	[sflag:s23] =	ssyncset.done $0x0  }
0x3b: {  	[sflag:s23] =	ssyncadd.s32 $0xFFFFB000  }
0x3c: {  	[tilespmem:s2], [sflag:$0x3] =	stream.linear.gather [hbm4b:s14+s2], $0xA0, $0x38;
	[tilespmem:$0x1DA80] =	vst v63  }
0x3d: {  	_ =	swait.ge [sflag:s16], $0xA0  }
0x3e: {  	[sflag:s16] =	ssyncset.done $0x0  }
0x3f: {  	s25 =	sadd.s32 $0x1400, s31;
	[sflag:s16] =	ssyncadd.s32 $0xFFFFFF60  }
0x40: {  	[tilespmem:s18], [sflag:$0x1] =	stream.linear.gather [hbm4b:s25+s2], $0x5000, $0x38;
	[tilespmem:$0x1DA80] =	vst v63  }
0x41: {  	_ = 	snop  }
0x42: {  	[spmem:s1] =	stream.indirect.scatter.add.f32 [tilespmem:s21], [sflag:$0x3], $0x80, s20, s22, $0xb8;
	[tilespmem:$0x1DA80] =	vst v63  }
0x43: {  	_ =	swait.ge [sflag:s16], $0x5000  }
0x44: {  	s26 =	smov.u32 s14;
	s25 =	simm.s32 $0x1400;
	[sflag:s16] =	ssyncset.done $0x0  }
.LBB2_2:
0x45: {  	p3 =	sne.s32 s25, $0x4C400;
	[sflag:s16] =	ssyncadd.s32 $0xFFFFB000;
	s26 =	sadd.s32 $0x28, s26  }
0x46: {  	s28 =	smov.u32 s25;
	s25 =	sadd.s32 $0x1400, s25  }
0x47: {  	_ =	swait.ge [sflag:s19], $0x5000  }
0x48: {  	[sflag:s19] =	ssyncset.done $0x0  }
0x49: {  	s29 =	sadd.s32 $0xFFFFFFEC, s26;
	[sflag:s19] =	ssyncadd.s32 $0xFFFFB000  }
0x4a: {  	[tilespmem:s20], [sflag:$0x3] =	stream.linear.gather [hbm4b:s29+s2], $0xA0, $0x38;
	[tilespmem:$0x1DA80] =	vst v63  }
0x4b: {  	_ =	swait.ge [sflag:s16], $0xA0  }
0x4c: {  	s28 =	sadd.s32 s28, s13;
	[sflag:s16] =	ssyncset.done $0x0  }
0x4d: {  	s29 =	sadd.s32 $0xA00, s28;
	[sflag:s16] =	ssyncadd.s32 $0xFFFFFF60  }
0x4e: {  	[tilespmem:s21], [sflag:$0x2] =	stream.linear.gather [hbm4b:s29+s2], $0x5000, $0x38;
	[tilespmem:$0x1DA80] =	vst v63  }
0x4f: {  	_ = 	snop  }
0x50: {  	[spmem:s1] =	stream.indirect.scatter.add.f32 [tilespmem:s18], [sflag:$0x3], $0x80, s2, s22, $0xb8;
	[tilespmem:$0x1DA80] =	vst v63  }
0x51: {  	_ =	swait.ge [sflag:s16], $0x5000  }
0x52: {  	[sflag:s16] =	ssyncset.done $0x0  }
0x53: {  	[sflag:s16] =	ssyncadd.s32 $0xFFFFB000  }
0x54: {  	_ =	swait.ge [sflag:s23], $0x5000  }
0x55: {  	[sflag:s23] =	ssyncset.done $0x0  }
0x56: {  	[sflag:s23] =	ssyncadd.s32 $0xFFFFB000  }
0x57: {  	[tilespmem:s2], [sflag:$0x3] =	stream.linear.gather [hbm4b:s26+s2], $0xA0, $0x38;
	[tilespmem:$0x1DA80] =	vst v63  }
0x58: {  	_ =	swait.ge [sflag:s16], $0xA0  }
0x59: {  	[sflag:s16] =	ssyncset.done $0x0  }
0x5a: {  	s28 =	sadd.s32 $0x1400, s28;
	[sflag:s16] =	ssyncadd.s32 $0xFFFFFF60  }
0x5b: {  	[tilespmem:s18], [sflag:$0x1] =	stream.linear.gather [hbm4b:s28+s2], $0x5000, $0x38;
	[tilespmem:$0x1DA80] =	vst v63  }
.Ltmp2:
0x5c: {  	_ = 	snop;
	(pc) =	sbr.rel @p3 .LBB2_2-.Ltmp2, $4  }
0x5d: {  	_ = 	snop  }
0x5e: {  	[spmem:s1] =	stream.indirect.scatter.add.f32 [tilespmem:s21], [sflag:$0x3], $0x80, s20, s22, $0xb8;
	[tilespmem:$0x1DA80] =	vst v63  }
0x5f: {  	_ =	swait.ge [sflag:s16], $0x5000  }
0x60: {  	[sflag:s16] =	ssyncset.done $0x0  }
0x61: {  	[sflag:s16] =	ssyncadd.s32 $0xFFFFB000  }
0x62: {  	_ =	swait.ge [sflag:s19], $0x5000  }
0x63: {  	[sflag:s19] =	ssyncset.done $0x0  }
0x64: {  	[sflag:s19] =	ssyncadd.s32 $0xFFFFB000  }
0x65: {  	[spmem:s1] =	stream.indirect.scatter.add.f32 [tilespmem:s18], [sflag:$0x3], $0x80, s2, s22, $0xb8;
	[tilespmem:$0x1DA80] =	vst v63  }
.Ltmp3:
0x66: {  	_ =	swait.ge [sflag:s16], $0x5000;
	(pc) =	sbr.rel @p1 .LBB2_5-.Ltmp3, $3  }
0x67: {  	[sflag:s16] =	ssyncset.done $0x0  }
0x68: {  	[sflag:s16] =	ssyncadd.s32 $0xFFFFB000  }
0x69: {  	[bflag:$0x0] =	sbarrier.arrive $0xFFFF;
	_ =	sdelay $0x1  }
0x6a: {  	[hbm:s11], [sflag:s6] =	dma.local [spmem:s15], $0x2700  }
.Ltmp4:
0x6b: {  	_ = 	snop;
	(pc) =	sbr.rel @!p2 .LBB2_7-.Ltmp4, $4  }
.Ltmp5:
0x6c: {  	_ = 	snop;
	(pc) =	sbr.rel @p2 .LBB2_6-.Ltmp5, $4  }
0x6d: {  	_ =	swait.ge [sflag:s16], $0x2700  }
0x6e: {  	[sflag:s16] =	ssyncset.done $0x0  }
0x6f: {  	s25 =	smov.u32 s3;
	[sflag:s16] =	ssyncadd.s32 $0xFFFFD900  }
0x70: {  	_ = 	snop  }
.LBB2_5:
0x71: {  	[hbm:s10], [sflag:s6] =	dma.local [spmem:s15], $0x2700  }
.Ltmp6:
0x72: {  	_ = 	snop;
	(pc) =	sbr.rel @p0 .LBB2_7-.Ltmp6, $4  }
.Ltmp7:
0x73: {  	_ = 	snop;
	(pc) =	sbr.rel @!p0 .LBB2_6-.Ltmp7, $4  }
0x74: {  	_ =	swait.ge [sflag:s16], $0x2700  }
0x75: {  	[sflag:s16] =	ssyncset.done $0x0  }
0x76: {  	s25 =	smov.u32 s4;
	[sflag:s16] =	ssyncadd.s32 $0xFFFFD900  }
0x77: {  	_ = 	snop  }
.LBB2_8:
0x78: {  	_ =	sfence.sel $0x180000  }
0x79: {  	[bflag:$0x0] =	sbarrier.arrive $0xFFFF  }
0x7a: {  	_ =	strace $0x9000004A  }
0x7b: {  	s0 =	sadd.s32 @!p0 $0x100000, s0;
	[bflag:$0x2] =	sbarrier.arrive $0xFFFF  }
0x7c: {  	[sflag:s0] =	ssyncadd.tile.s32 @!p0 $0x1;
	_ =	shalt  }
.Lfunc_end2:
_tile_overlayer_lowered:
.L_overlay_start_2:
0x7d: {  	(tag) =	ssettag $0x2  }
0x7e: {  	s0 =	rddreg [dreg:$0x0];
	s2 =	stileid.u32  }
0x7f: {  	s1 =	rddreg [dreg:$0x1];
	p0 =	sne.s32 s2, $0x0  }
0x80: {  	s3 =	rddreg [dreg:$0x2];
	[bflag:$0x3] =	sbarrier.arrive $0xFFFF;
	s2 =	simm.s32 @!p0 $0x1C03  }
0x81: {  	[timem:s3], [sflag:s2] =	dma.local @!p0 [hbm:s0], s1  }
0x82: {  	s0 =	simm.s32 @!p0 $0x3  }
0x83: {  	_ =	swait.ge @!p0 [sflag:s0], s1  }
0x84: {  	s1 =	ssub.s32 @!p0 $0x0, s1;
	[sflag:s0] =	ssyncset.done @!p0 $0x0  }
0x85: {  	[sflag:s0] =	ssyncadd.s32 @!p0 s1  }
0x86: {  	[bflag:$0x3] =	sbarrier.arrive $0xFFFF  }
0x87: {  	_ =	shalt  }

// kernel: kernel.9.cloned.1.call-start
scs
__scs_entry_jumppad:
0x0: {  	(pc) =	sbr.rel $0x88, $3  }
0x1: {  	(tag) =	ssettag $0x0;
	lr =	simm.s32 $0x1  }
0x2: {  	[smem:$0x3F8E] =	sst lr;
	_ =	strace $0xD0000000  }
0x3: {  	_ = 	snop  }
0x4: {  	_ = 	snop  }
0x5: {  	_ = 	snop  }
0x6: {  	_ = 	snop  }
0x7: {  	_ = 	snop  }
__scs_overlays_trampoline_lowered:
0x8: {  	[smem:$0x3F9D] =	sst s0  }
0x9: {  	[smem:$0x3F9E] =	sst s1  }
0xa: {  	[smem:$0x3F9F] =	sst s2  }
0xb: {  	[smem:$0x3FA0] =	sst s3  }
0xc: {  	[smem:$0x3FA1] =	sst s4  }
0xd: {  	[smem:$0x3FA2] =	sst s5  }
0xe: {  	[smem:$0x3FA3] =	sst s6  }
0xf: {  	[smem:$0x3FA4] =	sst s7  }
0x10: {  	[smem:$0x3FA5] =	sst s8  }
0x11: {  	[smem:$0x3FA6] =	sst s9;
	s0 =	simm.s32 @!p0 $0x0  }
0x12: {  	s1 =	sld [smem:$0x3F8C];
	s0 =	simm.s32 @p0 $0x1  }
0x13: {  	[smem:$0x3FA7] =	sst s0;
	s0 =	simm.s32 @!p1 $0x0  }
0x14: {  	s2 =	sld [smem:$0x3F8B];
	s0 =	simm.s32 @p1 $0x1  }
0x15: {  	[smem:$0x3FA8] =	sst s0;
	s0 =	simm.s32 @!p2 $0x0  }
0x16: {  	s3 =	sld [smem:$0x3FDB];
	s0 =	simm.s32 @p2 $0x1  }
0x17: {  	s4 =	simm.s32 $0x1BF5;
	[smem:$0x3FAA] =	sst s0  }
0x18: {  	s0 =	sld [smem:$0x3F8D];
	_ =	swait.ge [sflag:s4], $0x0  }
0x19: {  	s7 =	sld [smem:$0x3F8E]  }
0x1a: {  	s8 =	sadd.s32 $0xFFFFE003, lr  }
0x1b: {  	s9 =	sadd.s32 $0xFFFFFEF7, lr;
	s5 =	simm.s32 $0xFFFFFFFF;
	p2 =	slt.u32 s8, $0xFFFFF086  }
0x1c: {  	p1 =	slt.u32 s9, $0xF7A;
	s5 =	simm.s32 @!p2 $0x0  }
0x1d: {  	s5 =	simm.s32 @p1 $0x1;
	p0 =	seq.s32 s7, s2  }
0x1e: {  	s7 =	smul.u32 @!p0 $0xF7A, s2;
	p2 =	seq.s32 @!p0 s5, $0x0  }
0x1f: {  	s9 =	smul.u32 $0xF7A, s1;
	s8 =	simm.s32 @!p0 $0x1BF5;
	p2 =	por !p2, p0  }
0x20: {  	[sflag:s8] =	ssyncset.s32 @!p0 $0xFFFFF086;
	s6 =	sadd.s32 @!p0 s3, s7;
	s7 =	simm.s32 @!p0 $0x108  }
0x21: {  	s3 =	sadd.s32 s3, s9;
	s6 =	sadd.s32 @!p0 $0x88, s6;
	s7 =	simm.s32 @p2 $0x1082  }
0x22: {  	[simem:s7], [sflag:s8] =	dma.local @!p0 [hbm:s6], $0xF7A  }
0x23: {  	s9 =	sor.u32 $0xD0000000, s2;
	s6 =	simm.s32 $0x108;
	_ =	swait.ge @!p0 [sflag:s8], $0x0  }
0x24: {  	s3 =	sadd.s32 $0x88, s3;
	s6 =	simm.s32 @!p1 $0x1082;
	[sflag:s4] =	ssyncset.s32 $0xFFFFF086  }
0x25: {  	[simem:s6], [sflag:s4] =	dma.local [hbm:s3], $0xF7A  }
0x26: {  	[smem:$0x3F8E] =	sst s1;
	(tag) =	ssettag s2;
	_ =	strace s9  }
0x27: {  	s1 =	sld [smem:$0x3F9E]  }
0x28: {  	s2 =	sld [smem:$0x3F9F]  }
0x29: {  	s4 =	sld [smem:$0x3FA1]  }
0x2a: {  	p0 =	seq.s32 s5, $0x0;
	s5 =	sld [smem:$0x3FA2]  }
0x2b: {  	s6 =	sld [smem:$0x3FA3]  }
0x2c: {  	s7 =	sld [smem:$0x3FA4]  }
0x2d: {  	s3 =	simm.s32 $0x108;
	s8 =	sld [smem:$0x3FA5]  }
0x2e: {  	s3 =	simm.s32 @!p0 $0x1082;
	s9 =	sld [smem:$0x3FA6]  }
0x2f: {  	lr =	sadd.s32 s0, s3;
	s0 =	sld [smem:$0x3F9D]  }
0x30: {  	s3 =	sld [smem:$0x3FA0]  }
0x31: {  	[smem:$0x3FA9] =	sst s10  }
0x32: {  	s10 =	sld [smem:$0x3FA7];
	_ =	sdelay $0x3  }
0x33: {  	p0 =	seq.s32 s10, $0x1;
	s10 =	sld [smem:$0x3FA9];
	_ =	sdelay $0x3  }
0x34: {  	[smem:$0x3FA9] =	sst s10  }
0x35: {  	s10 =	sld [smem:$0x3FA8];
	_ =	sdelay $0x3  }
0x36: {  	p1 =	seq.s32 s10, $0x1;
	s10 =	sld [smem:$0x3FA9];
	_ =	sdelay $0x3  }
0x37: {  	[smem:$0x3FA9] =	sst s10  }
0x38: {  	s10 =	sld [smem:$0x3FAA]  }
0x39: {  	_ = 	snop;
	(pc) =	sbr.ind lr, $3  }
0x3a: {  	_ = 	snop  }
0x3b: {  	_ = 	snop  }
0x3c: {  	p2 =	seq.s32 s10, $0x1;
	s10 =	sld [smem:$0x3FA9]  }
0x3d: {  	_ =	shalt  }
0x3e: {  	_ =	shalt  }
0x3f: {  	_ =	shalt  }
0x40: {  	_ =	shalt  }
0x41: {  	_ =	shalt  }
0x42: {  	_ =	shalt  }
0x43: {  	_ =	shalt  }
0x44: {  	_ =	shalt  }
0x45: {  	_ =	shalt  }
0x46: {  	_ =	shalt  }
0x47: {  	_ =	shalt  }
0x48: {  	_ =	shalt  }
0x49: {  	_ =	shalt  }
0x4a: {  	_ =	shalt  }
0x4b: {  	_ =	shalt  }
0x4c: {  	_ =	shalt  }
0x4d: {  	_ =	shalt  }
0x4e: {  	_ =	shalt  }
0x4f: {  	_ =	shalt  }
0x50: {  	_ =	shalt  }
0x51: {  	_ =	shalt  }
0x52: {  	_ =	shalt  }
0x53: {  	_ =	shalt  }
0x54: {  	_ =	shalt  }
0x55: {  	_ =	shalt  }
0x56: {  	_ =	shalt  }
0x57: {  	_ =	shalt  }
0x58: {  	_ =	shalt  }
0x59: {  	_ =	shalt  }
0x5a: {  	_ =	shalt  }
0x5b: {  	_ =	shalt  }
0x5c: {  	_ =	shalt  }
0x5d: {  	_ =	shalt  }
0x5e: {  	_ =	shalt  }
0x5f: {  	_ =	shalt  }
0x60: {  	_ =	shalt  }
0x61: {  	_ =	shalt  }
0x62: {  	_ =	shalt  }
0x63: {  	_ =	shalt  }
0x64: {  	_ =	shalt  }
0x65: {  	_ =	shalt  }
0x66: {  	_ =	shalt  }
0x67: {  	_ =	shalt  }
0x68: {  	_ =	shalt  }
0x69: {  	_ =	shalt  }
0x6a: {  	_ =	shalt  }
0x6b: {  	_ =	shalt  }
0x6c: {  	_ =	shalt  }
0x6d: {  	_ =	shalt  }
0x6e: {  	_ =	shalt  }
0x6f: {  	_ =	shalt  }
0x70: {  	_ =	shalt  }
0x71: {  	_ =	shalt  }
0x72: {  	_ =	shalt  }
0x73: {  	_ =	shalt  }
0x74: {  	_ =	shalt  }
0x75: {  	_ =	shalt  }
0x76: {  	_ =	shalt  }
0x77: {  	_ =	shalt  }
0x78: {  	_ =	shalt  }
0x79: {  	_ =	shalt  }
0x7a: {  	_ =	shalt  }
0x7b: {  	_ =	shalt  }
0x7c: {  	_ =	shalt  }
0x7d: {  	_ =	shalt  }
0x7e: {  	_ =	shalt  }
0x7f: {  	_ =	shalt  }
0x80: {  	_ =	shalt  }
0x81: {  	_ =	shalt  }
0x82: {  	_ =	shalt  }
0x83: {  	_ =	shalt  }
0x84: {  	_ =	shalt  }
0x85: {  	_ =	shalt  }
0x86: {  	_ =	shalt  }
0x87: {  	_ =	shalt  }
.Lfunc_end0:
.L_simem_size_0:
called_computation_lowered:
.L_overlay_start_0:
0x88: {  	s2 =	sld [smem:$0x3FD9]  }
0x89: {  	s3 =	sld [smem:$0x3FFE];
	_ =	sdelay $0x1  }
0x8a: {  	s1 =	srdreg.scid  }
0x8b: {  	s0 =	sand.u32 $0x1, s1  }
0x8c: {  	s17 =	sshll.u32 s0, $0xA;
	s2 =	sadd.s32 s3, s2  }
0x8d: {  	s2 =	sadd.s32 s2, s17  }
0x8e: {  	[smem:$0x3FB5] =	sst s2  }
0x8f: {  	_ = 	snop  }
0x90: {  	s2 =	sld [smem:$0x3FD0];
	(tm) =	ssettm $0x1  }
0x91: {  	s18 =	sld [smem:$0x3FFB];
	_ =	sdelay $0x3  }
0x92: {  	_ =	strace s18  }
0x93: {  	s3 =	sld [smem:$0x3FFC];
	_ =	sdelay $0x3  }
0x94: {  	_ =	strace s3  }
0x95: {  	s3 =	sld [smem:$0x3FFD];
	_ =	sdelay $0x3  }
0x96: {  	_ =	strace s3  }
0x97: {  	_ =	strace $0x8FFFFFFF  }
0x98: {  	s19 =	sld [smem:$0x3FDB];
	_ =	sdelay $0x1  }
0x99: {  	s4 =	simm.s32 $_scs_section_size  }
0x9a: {  	s5 =	simm.s32 $_size__tile_overlayer_lowered;
	s6 =	simm.s32 $_tile_overlayer_lowered  }
0x9b: {  	s22 =	simm.s32 $0x1BFF;
	s21 =	sshll.u32 s6, $0x1;
	s3 =	sadd.s32 s4, s19  }
0x9c: {  	s7 =	simm.s32 $0x0;
	s20 =	sshll.u32 s5, $0x1;
	s5 =	sadd.s32 s21, s3  }
0x9d: {  	[timem:s7], [sflag:s22] =	dma.local [hbm:s5], s20  }
0x9e: {  	_ =	swait.ge [sflag:s22], s20  }
0x9f: {  	s4 =	ssub.s32 $0x0, s20;
	[sflag:s22] =	ssyncset.done $0x0  }
0xa0: {  	[sflag:s22] =	ssyncadd.s32 s4;
	_ =	sdelay $0x1  }
0xa1: {  	s23 =	simm.s32 $0x1B8B  }
0xa2: {  	_ =	swait.ge [sflag:s23], $0x1  }
0xa3: {  	[sflag:s23] =	ssyncset.done $0x0  }
0xa4: {  	s25 =	simm.s32 $0x1B8E;
	s24 =	sld [smem:$0x3FFE];
	[sflag:s23] =	ssyncadd.s32 $0xFFFFFFFF  }
0xa5: {  	s26 =	simm.s32 $execute0_lowered;
	[smem:$0x3FD2] =	sst s25  }
0xa6: {  	s5 =	sshll.u32 s26, $0x1;
	_ =	strace $0x80000046;
	[dreg:$0x1] =	wrdreg $0xFFFFFFFF  }
0xa7: {  	s28 =	simm.s32 $_size_execute0_lowered;
	s3 =	sadd.s32 s3, s5;
	[dreg:$0x0] =	wrdreg $0x0  }
0xa8: {  	s5 =	sshll.u32 s28, $0x1;
	[dreg:$0x2] =	wrdreg s3  }
0xa9: {  	[dreg:$0x3] =	wrdreg s5  }
0xaa: {  	[dreg:$0x4] =	wrdreg $0xC0  }
0xab: {  	_ =	task [dreg:s7], $0x5FFFF  }
0xac: {  	[dreg:$0x1] =	wrdreg $0xFFFFFFFF  }
0xad: {  	[dreg:$0x0] =	wrdreg $0x60  }
0xae: {  	[dreg:$0x2] =	wrdreg s2  }
0xaf: {  	[dreg:$0x3] =	wrdreg s24  }
0xb0: {  	[dreg:$0x4] =	wrdreg $0x9  }
0xb1: {  	_ =	task.clear_ibuf [dreg:s7], $0x5FFFF;
	_ =	strace $0x90000046  }
0xb2: {  	s29 =	simm.s32 $0x9;
	_ =	strace $0x80000048  }
0xb3: {  	_ =	swait.ge [sflag:s29], $0x1  }
0xb4: {  	[sflag:s29] =	ssyncadd.s32 $0xFFFFFFFF  }
0xb5: {  	_ =	strace $0x90000048  }
0xb6: {  	_ =	sfence  }
0xb7: {  	s30 =	sld [smem:$0x0];
	_ =	sdelay $0x2  }
0xb8: {  	s31 =	sshll.u32 s1, $0xD;
	s1 =	sshrl.u32 s1, $0x2  }
0xb9: {  	s3 =	sand.u32 $0x4000, s31;
	s1 =	sadd.s32 s1, s30  }
0xba: {  	s0 =	sor.u32 s3, s0;
	s1 =	sshll.u32 s1, $0x11  }
0xbb: {  	s0 =	sor.u32 s1, s0  }
0xbc: {  	s0 =	sadd.s32 $0x8F2B, s0  }
0xbd: {  	[sflag:s0] =	ssyncadd.remote.s32 $0x1  }
0xbe: {  	_ =	sfence.sel $0xFFFF  }
0xbf: {  	[dreg:$0x0] =	wrdreg $0xFFFFFFFF;
	(pc) =	sbr.abs _section_cstart, $3  }
0xc0: {  	[dreg:$0x1] =	wrdreg $0xFFFFFFFF  }
0xc1: {  	_ =	task.clear_ibuf [dreg:s7], $0x2FFFF;
	_ =	strace $0x9FFFFFFF  }
0xc2: {  	(tm) =	ssettm $0x7FFFFFFF  }
0xc3: {  	_ =	shalt  }
tec
execute0_lowered:
.L_overlay_start_1:
0x0: {  	(tag) =	ssettag $0x1  }
0x1: {  	s2 =	rddreg [dreg:$0x0]  }
0x2: {  	s0 =	rddreg [dreg:$0x1]  }
0x3: {  	s1 =	stileid.u32;
	s3 =	srdreg.scid;
	s14 =	simm.s32 $0xC8  }
0x4: {  	s15 =	simm.s32 $0x400;
	s16 =	simm.s32 $0x6800;
	s17 =	simm.s32 $0x1  }
0x5: {  	s18 =	simm.s32 $0x2;
	s19 =	simm.s32 $0x200;
	s20 =	simm.s32 $0x300  }
0x6: {  	s21 =	simm.s32 $0xCC00;
	s22 =	simm.s32 $0x13000;
	s23 =	simm.s32 $0x3  }
0x7: {  	s24 =	simm.s32 $0x4;
	s25 =	simm.s32 $0x0;
	s7 =	smul.u32 $0x4E200, s1  }
0x8: {  	s6 =	sand.u32 $0x1, s3;
	s4 =	sshll.u32 s1, $0x1;
	s9 =	smul.u32 $0x4E20, s1  }
0x9: {  	s3 =	simm.s32 $0x0;
	s5 =	sadd.s32 $0x4000, s0;
	s11 =	smul.u32 $0x2710, s6  }
0xa: {  	s4 =	sor.u32 s6, s4;
	[smem:$0x7FF] =	sst s3;
	s13 =	smul.u32 $0x27100, s6  }
0xb: {  	s10 =	ssub.s32 $0x2, s6;
	s8 =	smul.u32 $0x2710, s4;
	_ =	strace $0x80000047  }
0xc: {  	s4 =	sadd.s32 $0xDE00, s0;
	s12 =	sshrl.u32 s10, $0x1;
	s0 =	sadd.s32 s7, s0  }
0xd: {  	s10 =	ssub.s32 s10, s12;
	s9 =	sadd.s32 s11, s9;
	s0 =	sadd.s32 s13, s0  }
0xe: {  	s12 =	simm.s32 $0x5;
	s13 =	simm.s32 $0x100;
	s30 =	smax.u32 s10, $0x1  }
0xf: {  	s8 =	sshrl.u32 s8, $0x3;
	s31 =	sadd.s32 $0x17C00, s0;
	[dreg:$0x7] =	wrdreg s30  }
0x10: {  	s11 =	sadd.s32 $0xC8, s9;
	s0 =	sadd.s32 $0x4F9C00, s0;
	[dreg:$0x3] =	wrdreg s31  }
0x11: {  	s9 =	sadd.s32 $0x190, s9;
	s28 =	sadd.s32 s4, s8;
	[dreg:$0x4] =	wrdreg s0  }
0x12: {  	s29 =	sadd.s32 s5, s8;
	s11 =	sshrl.u32 s11, $0x3;
	[dreg:$0x5] =	wrdreg s28  }
0x13: {  	[dreg:$0x6] =	wrdreg s29;
	s10 =	sadd.s32 s11, s5;
	s11 =	sadd.s32 s11, s4  }
.LBB2_1:
0x14: {  	s0 =	rddreg [dreg:$0x5]  }
0x15: {  	[tilespmem:s3], [sflag:$0x5] =	stream.linear.gather [hbm4b:s0+s3], $0xC8, $0x38;
	[tilespmem:$0x19400] =	vst v63  }
0x16: {  	_ =	swait.ge [sflag:s12], $0xC8  }
0x17: {  	[sflag:s12] =	ssyncset.done $0x0  }
0x18: {  	s8 =	rddreg [dreg:$0x6];
	[sflag:s12] =	ssyncadd.s32 $0xFFFFFF38  }
0x19: {  	[tilespmem:s13], [sflag:$0x5] =	stream.linear.gather [hbm4b:s8+s3], $0xC8, $0x38;
	[tilespmem:$0x19400] =	vst v63  }
0x1a: {  	_ =	swait.ge [sflag:s12], $0xC8  }
0x1b: {  	[sflag:s12] =	ssyncset.done $0x0  }
0x1c: {  	[sflag:s12] =	ssyncadd.s32 $0xFFFFFF38  }
0x1d: {  	[tilespmem:s15], [sflag:$0x1] =	stream.indirect.gather [hbm4b:s2+s14], $0x80, s3, s14, $0xb8;
	[tilespmem:$0x19400] =	vst v63  }
0x1e: {  	_ = 	snop  }
0x1f: {  	[tilespmem:s16], [sflag:$0x2] =	stream.indirect.gather [hbm4b:s2+s14], $0x80, s13, s14, $0xb8;
	[tilespmem:$0x19400] =	vst v63  }
0x20: {  	_ =	swait.ge [sflag:s17], $0x6400  }
0x21: {  	[sflag:s17] =	ssyncset.done $0x0  }
0x22: {  	[sflag:s17] =	ssyncadd.s32 $0xFFFF9C00  }
0x23: {  	_ =	swait.ge [sflag:s18], $0x6400  }
0x24: {  	[sflag:s18] =	ssyncset.done $0x0  }
0x25: {  	[sflag:s18] =	ssyncadd.s32 $0xFFFF9C00  }
0x26: {  	[tilespmem:s19], [sflag:$0x5] =	stream.linear.gather [hbm4b:s11+s3], $0xC8, $0x38;
	[tilespmem:$0x19400] =	vst v63  }
0x27: {  	_ =	swait.ge [sflag:s12], $0xC8  }
0x28: {  	[sflag:s12] =	ssyncset.done $0x0  }
0x29: {  	[sflag:s12] =	ssyncadd.s32 $0xFFFFFF38  }
0x2a: {  	[tilespmem:s20], [sflag:$0x5] =	stream.linear.gather [hbm4b:s10+s3], $0xC8, $0x38;
	[tilespmem:$0x19400] =	vst v63  }
0x2b: {  	_ =	swait.ge [sflag:s12], $0xC8  }
0x2c: {  	[sflag:s12] =	ssyncset.done $0x0  }
0x2d: {  	[sflag:s12] =	ssyncadd.s32 $0xFFFFFF38  }
0x2e: {  	[tilespmem:s21], [sflag:$0x3] =	stream.indirect.gather [hbm4b:s2+s14], $0x80, s19, s14, $0xb8;
	[tilespmem:$0x19400] =	vst v63  }
0x2f: {  	s26 =	rddreg [dreg:$0x3]  }
0x30: {  	[tilespmem:s22], [sflag:$0x4] =	stream.indirect.gather [hbm4b:s2+s14], $0x80, s20, s14, $0xb8;
	[tilespmem:$0x19400] =	vst v63  }
0x31: {  	s0 =	sadd.s32 $0x0, s26  }
0x32: {  	[hbm4b:s0+s3] =	stream.linear.scatter [tilespmem:s15], [sflag:$0x5], $0x6400, $0x38;
	[tilespmem:$0x19400] =	vst v63  }
0x33: {  	_ =	swait.ge [sflag:s12], $0x6400  }
0x34: {  	s26 =	rddreg [dreg:$0x4];
	[sflag:s12] =	ssyncset.done $0x0  }
0x35: {  	[sflag:s12] =	ssyncadd.s32 $0xFFFF9C00;
	s26 =	sadd.s32 $0x0, s26  }
0x36: {  	[hbm4b:s26+s3] =	stream.linear.scatter [tilespmem:s16], [sflag:$0x5], $0x6400, $0x38;
	[tilespmem:$0x19400] =	vst v63  }
0x37: {  	_ =	swait.ge [sflag:s12], $0x6400  }
0x38: {  	[sflag:s12] =	ssyncset.done $0x0  }
0x39: {  	[sflag:s12] =	ssyncadd.s32 $0xFFFF9C00  }
0x3a: {  	_ =	swait.ge [sflag:s23], $0x6400  }
0x3b: {  	[sflag:s23] =	ssyncset.done $0x0  }
0x3c: {  	[sflag:s23] =	ssyncadd.s32 $0xFFFF9C00  }
0x3d: {  	p0 =	por $0x0, $0x0;
	_ =	swait.ge [sflag:s24], $0x6400  }
0x3e: {  	s28 =	sshrl.u32 @!p0 s9, $0x3;
	s29 =	simm.s32 @!p0 $0x5;
	[sflag:s24] =	ssyncset.done $0x0  }
0x3f: {  	s31 =	simm.s32 @!p0 $0x0;
	s30 =	sadd.s32 @!p0 s4, s28;
	[sflag:s24] =	ssyncadd.s32 $0xFFFF9C00  }
0x40: {  	[tilespmem:s31], [sflag:$0x5] =	stream.linear.gather @!p0 [hbm4b:s30+s31], $0xC8, $0x38;
	[tilespmem:$0x19400] =	vst v63  }
0x41: {  	_ =	swait.ge @!p0 [sflag:s29], $0xC8  }
0x42: {  	[sflag:s29] =	ssyncset.done @!p0 $0x0  }
0x43: {  	s28 =	sadd.s32 @!p0 s5, s28;
	s30 =	simm.s32 @!p0 $0x100;
	[sflag:s29] =	ssyncadd.s32 @!p0 $0xFFFFFF38  }
0x44: {  	[tilespmem:s30], [sflag:$0x5] =	stream.linear.gather @!p0 [hbm4b:s28+s31], $0xC8, $0x38;
	[tilespmem:$0x19400] =	vst v63  }
0x45: {  	_ =	swait.ge @!p0 [sflag:s29], $0xC8  }
0x46: {  	[sflag:s29] =	ssyncset.done @!p0 $0x0  }
0x47: {  	s28 =	simm.s32 @!p0 $0xC8;
	[sflag:s29] =	ssyncadd.s32 @!p0 $0xFFFFFF38;
	s29 =	simm.s32 @!p0 $0x400  }
0x48: {  	[tilespmem:s29], [sflag:$0x1] =	stream.indirect.gather @!p0 [hbm4b:s2+s28], $0x80, s31, s28, $0xb8;
	[tilespmem:$0x19400] =	vst v63  }
0x49: {  	s29 =	simm.s32 @!p0 $0x6800  }
0x4a: {  	[tilespmem:s29], [sflag:$0x2] =	stream.indirect.gather @!p0 [hbm4b:s2+s28], $0x80, s30, s28, $0xb8;
	[tilespmem:$0x19400] =	vst v63  }
0x4b: {  	s0 =	sadd.s32 $0xC80, s0  }
0x4c: {  	[hbm4b:s0+s3] =	stream.linear.scatter [tilespmem:s21], [sflag:$0x5], $0x6400, $0x38;
	[tilespmem:$0x19400] =	vst v63  }
0x4d: {  	_ =	swait.ge [sflag:s12], $0x6400  }
0x4e: {  	[sflag:s12] =	ssyncset.done $0x0  }
0x4f: {  	s31 =	sadd.s32 $0xC80, s26;
	[sflag:s12] =	ssyncadd.s32 $0xFFFF9C00  }
0x50: {  	[hbm4b:s31+s3] =	stream.linear.scatter [tilespmem:s22], [sflag:$0x5], $0x6400, $0x38;
	[tilespmem:$0x19400] =	vst v63  }
0x51: {  	s26 =	simm.s32 $0x1900;
	s28 =	sadd.s32 $0x32, s10;
	_ =	swait.ge [sflag:s12], $0x6400  }
0x52: {  	s29 =	sadd.s32 $0x32, s11;
	s30 =	smov.u32 s9;
	[sflag:s12] =	ssyncset.done $0x0  }
.LBB2_2:
0x53: {  	[sflag:s12] =	ssyncadd.s32 $0xFFFF9C00  }
0x54: {  	_ =	swait.ge [sflag:s17], $0x6400  }
0x55: {  	[sflag:s17] =	ssyncset.done $0x0  }
0x56: {  	[sflag:s17] =	ssyncadd.s32 $0xFFFF9C00  }
0x57: {  	_ =	swait.ge [sflag:s18], $0x6400  }
0x58: {  	[sflag:s18] =	ssyncset.done $0x0  }
0x59: {  	[sflag:s18] =	ssyncadd.s32 $0xFFFF9C00  }
0x5a: {  	[tilespmem:s19], [sflag:$0x5] =	stream.linear.gather [hbm4b:s29+s3], $0xC8, $0x38;
	[tilespmem:$0x19400] =	vst v63  }
0x5b: {  	_ =	swait.ge [sflag:s12], $0xC8  }
0x5c: {  	[sflag:s12] =	ssyncset.done $0x0  }
0x5d: {  	[sflag:s12] =	ssyncadd.s32 $0xFFFFFF38  }
0x5e: {  	[tilespmem:s20], [sflag:$0x5] =	stream.linear.gather [hbm4b:s28+s3], $0xC8, $0x38;
	[tilespmem:$0x19400] =	vst v63  }
0x5f: {  	_ =	swait.ge [sflag:s12], $0xC8  }
0x60: {  	[sflag:s12] =	ssyncset.done $0x0  }
0x61: {  	[sflag:s12] =	ssyncadd.s32 $0xFFFFFF38  }
0x62: {  	[tilespmem:s21], [sflag:$0x3] =	stream.indirect.gather [hbm4b:s2+s14], $0x80, s19, s14, $0xb8;
	[tilespmem:$0x19400] =	vst v63  }
0x63: {  	s31 =	smov.u32 s26;
	s0 =	rddreg [dreg:$0x3]  }
0x64: {  	[tilespmem:s22], [sflag:$0x4] =	stream.indirect.gather [hbm4b:s2+s14], $0x80, s20, s14, $0xb8;
	[tilespmem:$0x19400] =	vst v63  }
0x65: {  	s0 =	sadd.s32 s31, s0  }
0x66: {  	[hbm4b:s0+s3] =	stream.linear.scatter [tilespmem:s15], [sflag:$0x5], $0x6400, $0x38;
	[tilespmem:$0x19400] =	vst v63  }
0x67: {  	_ =	swait.ge [sflag:s12], $0x6400  }
0x68: {  	s1 =	rddreg [dreg:$0x4];
	[sflag:s12] =	ssyncset.done $0x0  }
0x69: {  	[sflag:s12] =	ssyncadd.s32 $0xFFFF9C00;
	s1 =	sadd.s32 s31, s1  }
0x6a: {  	[hbm4b:s1+s3] =	stream.linear.scatter [tilespmem:s16], [sflag:$0x5], $0x6400, $0x38;
	[tilespmem:$0x19400] =	vst v63  }
0x6b: {  	_ =	swait.ge [sflag:s12], $0x6400  }
0x6c: {  	[sflag:s12] =	ssyncset.done $0x0  }
0x6d: {  	[sflag:s12] =	ssyncadd.s32 $0xFFFF9C00  }
0x6e: {  	_ =	swait.ge [sflag:s23], $0x6400  }
0x6f: {  	[sflag:s23] =	ssyncset.done $0x0  }
0x70: {  	[sflag:s23] =	ssyncadd.s32 $0xFFFF9C00  }
0x71: {  	s30 =	sadd.s32 $0x190, s30;
	p1 =	seq.s32 s31, $0x25800;
	_ =	swait.ge [sflag:s24], $0x6400  }
0x72: {  	s6 =	simm.s32 @!p1 $0x5;
	s31 =	sshrl.u32 @!p1 s30, $0x3;
	[sflag:s24] =	ssyncset.done $0x0  }
0x73: {  	s8 =	simm.s32 @!p1 $0x0;
	s7 =	sadd.s32 @!p1 s4, s31;
	[sflag:s24] =	ssyncadd.s32 $0xFFFF9C00  }
0x74: {  	[tilespmem:s8], [sflag:$0x5] =	stream.linear.gather @!p1 [hbm4b:s7+s8], $0xC8, $0x38;
	[tilespmem:$0x19400] =	vst v63  }
0x75: {  	_ =	swait.ge @!p1 [sflag:s6], $0xC8  }
0x76: {  	[sflag:s6] =	ssyncset.done @!p1 $0x0  }
0x77: {  	s7 =	sadd.s32 @!p1 s5, s31;
	s31 =	simm.s32 @!p1 $0x100;
	[sflag:s6] =	ssyncadd.s32 @!p1 $0xFFFFFF38  }
0x78: {  	[tilespmem:s31], [sflag:$0x5] =	stream.linear.gather @!p1 [hbm4b:s7+s8], $0xC8, $0x38;
	[tilespmem:$0x19400] =	vst v63  }
0x79: {  	_ =	swait.ge @!p1 [sflag:s6], $0xC8  }
0x7a: {  	[sflag:s6] =	ssyncset.done @!p1 $0x0  }
0x7b: {  	s7 =	simm.s32 @!p1 $0x400;
	[sflag:s6] =	ssyncadd.s32 @!p1 $0xFFFFFF38;
	s6 =	simm.s32 @!p1 $0xC8  }
0x7c: {  	[tilespmem:s7], [sflag:$0x1] =	stream.indirect.gather @!p1 [hbm4b:s2+s6], $0x80, s8, s6, $0xb8;
	[tilespmem:$0x19400] =	vst v63  }
0x7d: {  	s7 =	simm.s32 @!p1 $0x6800  }
0x7e: {  	[tilespmem:s7], [sflag:$0x2] =	stream.indirect.gather @!p1 [hbm4b:s2+s6], $0x80, s31, s6, $0xb8;
	[tilespmem:$0x19400] =	vst v63  }
0x7f: {  	s26 =	sadd.s32 $0x1900, s26;
	s0 =	sadd.s32 $0xC80, s0  }
0x80: {  	[hbm4b:s0+s3] =	stream.linear.scatter [tilespmem:s21], [sflag:$0x5], $0x6400, $0x38;
	[tilespmem:$0x19400] =	vst v63  }
0x81: {  	p0 =	sne.s32 s26, $0x27100;
	_ =	swait.ge [sflag:s12], $0x6400  }
.Ltmp0:
0x82: {  	[sflag:s12] =	ssyncset.done $0x0;
	(pc) =	sbr.rel @p0 .LBB2_2-.Ltmp0, $4  }
0x83: {  	s31 =	sadd.s32 $0xC80, s1;
	[sflag:s12] =	ssyncadd.s32 $0xFFFF9C00  }
0x84: {  	[hbm4b:s31+s3] =	stream.linear.scatter [tilespmem:s22], [sflag:$0x5], $0x6400, $0x38;
	[tilespmem:$0x19400] =	vst v63  }
0x85: {  	_ =	swait.ge [sflag:s12], $0x6400  }
0x86: {  	s29 =	sadd.s32 $0x32, s29;
	s28 =	sadd.s32 $0x32, s28;
	[sflag:s12] =	ssyncset.done $0x0  }
0x87: {  	s25 =	sadd.s32 $0x1, s25;
	s0 =	rddreg [dreg:$0x7]  }
0x88: {  	p0 =	sne.s32 s25, s0  }
.Ltmp1:
0x89: {  	_ = 	snop;
	(pc) =	sbr.rel @p0 .LBB2_1-.Ltmp1, $2  }
0x8a: {  	_ =	sdelay $0x2  }
0x8b: {  	[sflag:s12] =	ssyncadd.s32 $0xFFFF9C00  }
0x8c: {  	_ =	sfence.sel $0x180000  }
0x8d: {  	[bflag:$0x0] =	sbarrier.arrive $0xFFFF  }
0x8e: {  	_ =	strace $0x90000047  }
0x8f: {  	s0 =	stileid.u32;
	[bflag:$0x2] =	sbarrier.arrive $0xFFFF  }
0x90: {  	p0 =	sne.s32 s0, $0x0;
	s0 =	rddreg [dreg:$0x2]  }
0x91: {  	s0 =	sadd.s32 @!p0 $0x100000, s0  }
0x92: {  	[sflag:s0] =	ssyncadd.tile.s32 @!p0 $0x1;
	_ =	shalt  }
.Lfunc_end2:
_tile_overlayer_lowered:
.L_overlay_start_2:
0x93: {  	(tag) =	ssettag $0x2  }
0x94: {  	s0 =	rddreg [dreg:$0x0];
	s2 =	stileid.u32  }
0x95: {  	s1 =	rddreg [dreg:$0x1];
	p0 =	sne.s32 s2, $0x0  }
0x96: {  	s3 =	rddreg [dreg:$0x2];
	[bflag:$0x3] =	sbarrier.arrive $0xFFFF;
	s2 =	simm.s32 @!p0 $0x1C05  }
0x97: {  	[timem:s3], [sflag:s2] =	dma.local @!p0 [hbm:s0], s1  }
0x98: {  	s0 =	simm.s32 @!p0 $0x5  }
0x99: {  	_ =	swait.ge @!p0 [sflag:s0], s1  }
0x9a: {  	s1 =	ssub.s32 @!p0 $0x0, s1;
	[sflag:s0] =	ssyncset.done @!p0 $0x0  }
0x9b: {  	[sflag:s0] =	ssyncadd.s32 @!p0 s1  }
0x9c: {  	[bflag:$0x3] =	sbarrier.arrive $0xFFFF  }
0x9d: {  	_ =	shalt  }

</sc_bundles>
